<compile_context>
chip_gen: v7x
topology: tpu7x:2x2x1
jax: 0.10.2.dev20260603
libtpu: 0.0.44.dev20260713+nightly
codegen_flags: <defaults>
</compile_context>

<pallas_src>
import functools

import jax
import jax.numpy as jnp
from jax import lax
from jax.experimental import pallas as pl
from jax.experimental.pallas import tpu as pltpu
from jax.experimental.pallas import tpu_sc as plsc

_L = 16
_NW = 16
_ROWS = 16384
_CHUNK = _ROWS // _NW
_ITERS = _CHUNK // _L


def _fprate_sc(out_hbm, tgt_hbm, part_hbm, out_v, tgt_v, part_v, sem1, sem2):
    sid = lax.axis_index("s")

    base = sid * _CHUNK
    cp_out = pltpu.make_async_copy(
        out_hbm.at[pl.ds(2 * base, 2 * _CHUNK)], out_v, sem1)
    cp_tgt = pltpu.make_async_copy(
        tgt_hbm.at[pl.ds(base, _CHUNK)], tgt_v, sem2)
    cp_out.start()
    cp_tgt.start()
    cp_out.wait()
    cp_tgt.wait()

    lanes = lax.broadcasted_iota(jnp.int32, (_L,), 0)
    one = jnp.ones((_L,), jnp.int32)
    zero = jnp.zeros((_L,), jnp.int32)

    acc_fp = zero
    acc_t1 = zero
    for j in range(_ITERS):
        even = 2 * _L * j + 2 * lanes
        c0 = plsc.load_gather(out_v, [even])
        c1 = plsc.load_gather(out_v, [even + 1])
        t = tgt_v[pl.ds(j * _L, _L)]
        acc_fp = acc_fp + jnp.where(c1 > c0, one - t, zero)
        acc_t1 = acc_t1 + t

    part_v[0, :] = acc_fp.astype(jnp.float32)
    part_v[1, :] = (_ITERS - acc_t1).astype(jnp.float32)
    pltpu.sync_copy(part_v, part_hbm.at[sid])


def _combine_body(part_ref, res_ref):
    fp = jnp.sum(part_ref[:, 0, :])
    n0 = jnp.sum(part_ref[:, 1, :])
    res_ref[...] = (fp / (n0 + 1e-10)).reshape(1, 1)


def kernel(output, target):
    target = target.astype(jnp.int32)
    count = functools.partial(
        pl.kernel,
        mesh=plsc.VectorSubcoreMesh(core_axis_name="c", subcore_axis_name="s",
                                    num_cores=1),
        compiler_params=pltpu.CompilerParams(needs_layout_passes=False),
        out_type=jax.ShapeDtypeStruct((_NW, 2, _L), jnp.float32),
        scratch_types=[
            pltpu.VMEM((2 * _CHUNK,), jnp.float32),
            pltpu.VMEM((_CHUNK,), jnp.int32),
            pltpu.VMEM((2, _L), jnp.float32),
            pltpu.SemaphoreType.DMA,
            pltpu.SemaphoreType.DMA,
        ],
    )(_fprate_sc)
    parts = count(output.reshape(-1), target)
    res = pl.pallas_call(
        _combine_body,
        out_shape=jax.ShapeDtypeStruct((1, 1), jnp.float32),
    )(parts)
    return res[0, 0]

# --- scband reference (transcript-rebuilt; emitter-appended) ---
"""Pipeline reference for scband-fprate-64544768524314 (READ-ONLY COPY).

The authoritative reference and input builder live on the scoring server;
editing this copy changes nothing except your own understanding.
"""

import jax, jax.numpy as jnp
import numpy as np


def setup_inputs(seed: int = 0) -> dict:
    key = jax.random.key(seed)
    k1, k2 = jax.random.split(key)
    output = jax.random.normal(k1, (16384, 2), dtype=jnp.float32)
    target = jax.random.randint(k2, (16384,), 0, 2, dtype=jnp.int64)
    return {"output": output, "target": target}


def reference(output, target):
    B, C = output.shape
    pred = jnp.argmax(output, axis=1)
    rows = jnp.arange(B)
    pre_mask = jnp.zeros((B, C), dtype=jnp.float32).at[rows, pred].set(1.0)
    tar_mask = jnp.zeros((B, C), dtype=jnp.float32).at[rows, target].set(1.0)
    FP = (pre_mask[:, 1] * tar_mask[:, 0]).astype(jnp.float32).sum()
    TN = (pre_mask[:, 0] * tar_mask[:, 0]).astype(jnp.float32).sum()
    return FP / (FP + TN + 1e-10)

if __name__ == "__main__":
    import jax
    _d = setup_inputs()
    print(jax.jit(kernel)(*tuple(_d.values())))

</pallas_src>

<mosaic_0001>
#map = affine_map<(d0, d1) -> (0)>
#map1 = affine_map<(d0, d1) -> (0, 0, 0)>
module attributes {stable_mosaic.version = 14 : i64} {
  func.func @_fprate_sc(%arg0: i32, %arg1: i32, %arg2: memref<32768xf32, #tpu.memory_space<hbm>>, %arg3: memref<16384xi32, #tpu.memory_space<hbm>>, %arg4: memref<16x2x16xf32, #tpu.memory_space<hbm>>, %arg5: memref<2048xf32, #tpu.memory_space<vmem>>, %arg6: memref<1024xi32, #tpu.memory_space<vmem>>, %arg7: memref<2x16xf32, #tpu.memory_space<vmem>>, %arg8: memref<!tpu.dma_semaphore, #tpu.memory_space<semaphore_mem>>, %arg9: memref<!tpu.dma_semaphore, #tpu.memory_space<semaphore_mem>>) attributes {dimension_semantics = [#tpu.dimension_semantics<core_parallel>, #tpu.dimension_semantics<subcore_parallel>], iteration_bounds = array<i64: 1, 16>, scalar_prefetch = 0 : i64, scratch_operands = 5 : i64, tpu.core_type = #tpu.core_type<sc_vector_subcore>, window_params = [{transform_indices = #map}, {transform_indices = #map}, {transform_indices = #map1}]} {
    %mul3A = arith.constant 1024 : i32
    %mul3A_0 = arith.muli %arg1, %mul3A : i32
    %mul3A_1 = arith.constant 2 : i32
    %mul3A_2 = arith.muli %mul3A_1, %mul3A_0 : i32
    %dma_start3A = tpu.memref_slice %arg2[%mul3A_2] : memref<32768xf32, #tpu.memory_space<hbm>> -> memref<2048xf32, #tpu.memory_space<hbm>>
    %dma_start3A_3 = tpu.memref_slice %arg2[%mul3A_2] : memref<32768xf32, #tpu.memory_space<hbm>> -> memref<2048xf32, #tpu.memory_space<hbm>>
    tpu.enqueue_dma source(%dma_start3A_3 : memref<2048xf32, #tpu.memory_space<hbm>>) target(%arg5 : memref<2048xf32, #tpu.memory_space<vmem>>) target_semaphore(%arg8 : memref<!tpu.dma_semaphore, #tpu.memory_space<semaphore_mem>>)
    %dma_start3A_4 = tpu.memref_slice %arg3[%mul3A_0] : memref<16384xi32, #tpu.memory_space<hbm>> -> memref<1024xi32, #tpu.memory_space<hbm>>
    %dma_start3A_5 = tpu.memref_slice %arg3[%mul3A_0] : memref<16384xi32, #tpu.memory_space<hbm>> -> memref<1024xi32, #tpu.memory_space<hbm>>
    tpu.enqueue_dma source(%dma_start3A_5 : memref<1024xi32, #tpu.memory_space<hbm>>) target(%arg6 : memref<1024xi32, #tpu.memory_space<vmem>>) target_semaphore(%arg9 : memref<!tpu.dma_semaphore, #tpu.memory_space<semaphore_mem>>)
    %dma_wait3A = tpu.memref_slice %arg2[%mul3A_2] : memref<32768xf32, #tpu.memory_space<hbm>> -> memref<2048xf32, #tpu.memory_space<hbm>>
    %dma_wait3A_6 = tpu.memref_slice %arg2[%mul3A_2] : memref<32768xf32, #tpu.memory_space<hbm>> -> memref<2048xf32, #tpu.memory_space<hbm>>
    tpu.wait_dma2 semaphore(%arg8 : memref<!tpu.dma_semaphore, #tpu.memory_space<semaphore_mem>>) src(%dma_wait3A_6 : memref<2048xf32, #tpu.memory_space<hbm>>) dst(%arg5 : memref<2048xf32, #tpu.memory_space<vmem>>)
    %dma_wait3A_7 = tpu.memref_slice %arg3[%mul3A_0] : memref<16384xi32, #tpu.memory_space<hbm>> -> memref<1024xi32, #tpu.memory_space<hbm>>
    %dma_wait3A_8 = tpu.memref_slice %arg3[%mul3A_0] : memref<16384xi32, #tpu.memory_space<hbm>> -> memref<1024xi32, #tpu.memory_space<hbm>>
    tpu.wait_dma2 semaphore(%arg9 : memref<!tpu.dma_semaphore, #tpu.memory_space<semaphore_mem>>) src(%dma_wait3A_8 : memref<1024xi32, #tpu.memory_space<hbm>>) dst(%arg6 : memref<1024xi32, #tpu.memory_space<vmem>>)
    %iota3A = tpu.iota {dimensions = array<i32: 0>} : vector<16xi32>
    %broadcast_in_dim3A = arith.constant 1 : i32
    %broadcast_in_dim3A_9 = vector.broadcast %broadcast_in_dim3A : i32 to vector<16xi32>
    %broadcast_in_dim3A_10 = arith.constant 0 : i32
    %broadcast_in_dim3A_11 = vector.broadcast %broadcast_in_dim3A_10 : i32 to vector<16xi32>
    %mul3A_12 = arith.constant 2 : i32
    %mul3A_13 = vector.broadcast %mul3A_12 : i32 to vector<16xi32>
    %mul3A_14 = arith.muli %mul3A_13, %iota3A : vector<16xi32>
    %add3A = arith.constant 0 : i32
    %add3A_15 = vector.broadcast %add3A : i32 to vector<16xi32>
    %add3A_16 = arith.addi %add3A_15, %mul3A_14 : vector<16xi32>
    %gather3A = tpu.vector_load_idx %arg5[%add3A_16] : memref<2048xf32, #tpu.memory_space<vmem>>[vector<16xi32>], vector<16xf32>,
    %add3A_17 = arith.constant 1 : i32
    %add3A_18 = vector.broadcast %add3A_17 : i32 to vector<16xi32>
    %add3A_19 = arith.addi %add3A_16, %add3A_18 : vector<16xi32>
    %gather3A_20 = tpu.vector_load_idx %arg5[%add3A_19] : memref<2048xf32, #tpu.memory_space<vmem>>[vector<16xi32>], vector<16xf32>,
    %get3A = arith.constant 0 : index
    %get3A_21 = tpu.vector_load %arg6[%get3A] {strides = array<i32>} : memref<1024xi32, #tpu.memory_space<vmem>>, vector<16xi32>,
    %gt3A = arith.cmpf ogt, %gather3A_20, %gather3A : vector<16xf32>
    %sub3A = arith.subi %broadcast_in_dim3A_9, %get3A_21 : vector<16xi32>
    %select_n3A = arith.select %gt3A, %sub3A, %broadcast_in_dim3A_11 : vector<16xi1>, vector<16xi32>
    %add3A_22 = arith.addi %broadcast_in_dim3A_11, %select_n3A : vector<16xi32>
    %add3A_23 = arith.addi %broadcast_in_dim3A_11, %get3A_21 : vector<16xi32>
    %mul3A_24 = arith.constant 2 : i32
    %mul3A_25 = vector.broadcast %mul3A_24 : i32 to vector<16xi32>
    %mul3A_26 = arith.muli %mul3A_25, %iota3A : vector<16xi32>
    %add3A_27 = arith.constant 32 : i32
    %add3A_28 = vector.broadcast %add3A_27 : i32 to vector<16xi32>
    %add3A_29 = arith.addi %add3A_28, %mul3A_26 : vector<16xi32>
    %gather3A_30 = tpu.vector_load_idx %arg5[%add3A_29] : memref<2048xf32, #tpu.memory_space<vmem>>[vector<16xi32>], vector<16xf32>,
    %add3A_31 = arith.constant 1 : i32
    %add3A_32 = vector.broadcast %add3A_31 : i32 to vector<16xi32>
    %add3A_33 = arith.addi %add3A_29, %add3A_32 : vector<16xi32>
    %gather3A_34 = tpu.vector_load_idx %arg5[%add3A_33] : memref<2048xf32, #tpu.memory_space<vmem>>[vector<16xi32>], vector<16xf32>,
    %get3A_35 = arith.constant 16 : index
    %get3A_36 = tpu.vector_load %arg6[%get3A_35] {strides = array<i32>} : memref<1024xi32, #tpu.memory_space<vmem>>, vector<16xi32>,
    %gt3A_37 = arith.cmpf ogt, %gather3A_34, %gather3A_30 : vector<16xf32>
    %sub3A_38 = arith.subi %broadcast_in_dim3A_9, %get3A_36 : vector<16xi32>
    %select_n3A_39 = arith.select %gt3A_37, %sub3A_38, %broadcast_in_dim3A_11 : vector<16xi1>, vector<16xi32>
    %add3A_40 = arith.addi %add3A_22, %select_n3A_39 : vector<16xi32>
    %add3A_41 = arith.addi %add3A_23, %get3A_36 : vector<16xi32>
    %mul3A_42 = arith.constant 2 : i32
    %mul3A_43 = vector.broadcast %mul3A_42 : i32 to vector<16xi32>
    %mul3A_44 = arith.muli %mul3A_43, %iota3A : vector<16xi32>
    %add3A_45 = arith.constant 64 : i32
    %add3A_46 = vector.broadcast %add3A_45 : i32 to vector<16xi32>
    %add3A_47 = arith.addi %add3A_46, %mul3A_44 : vector<16xi32>
    %gather3A_48 = tpu.vector_load_idx %arg5[%add3A_47] : memref<2048xf32, #tpu.memory_space<vmem>>[vector<16xi32>], vector<16xf32>,
    %add3A_49 = arith.constant 1 : i32
    %add3A_50 = vector.broadcast %add3A_49 : i32 to vector<16xi32>
    %add3A_51 = arith.addi %add3A_47, %add3A_50 : vector<16xi32>
    %gather3A_52 = tpu.vector_load_idx %arg5[%add3A_51] : memref<2048xf32, #tpu.memory_space<vmem>>[vector<16xi32>], vector<16xf32>,
    %get3A_53 = arith.constant 32 : index
    %get3A_54 = tpu.vector_load %arg6[%get3A_53] {strides = array<i32>} : memref<1024xi32, #tpu.memory_space<vmem>>, vector<16xi32>,
    %gt3A_55 = arith.cmpf ogt, %gather3A_52, %gather3A_48 : vector<16xf32>
    %sub3A_56 = arith.subi %broadcast_in_dim3A_9, %get3A_54 : vector<16xi32>
    %select_n3A_57 = arith.select %gt3A_55, %sub3A_56, %broadcast_in_dim3A_11 : vector<16xi1>, vector<16xi32>
    %add3A_58 = arith.addi %add3A_40, %select_n3A_57 : vector<16xi32>
    %add3A_59 = arith.addi %add3A_41, %get3A_54 : vector<16xi32>
    %mul3A_60 = arith.constant 2 : i32
    %mul3A_61 = vector.broadcast %mul3A_60 : i32 to vector<16xi32>
    %mul3A_62 = arith.muli %mul3A_61, %iota3A : vector<16xi32>
    %add3A_63 = arith.constant 96 : i32
    %add3A_64 = vector.broadcast %add3A_63 : i32 to vector<16xi32>
    %add3A_65 = arith.addi %add3A_64, %mul3A_62 : vector<16xi32>
    %gather3A_66 = tpu.vector_load_idx %arg5[%add3A_65] : memref<2048xf32, #tpu.memory_space<vmem>>[vector<16xi32>], vector<16xf32>,
    %add3A_67 = arith.constant 1 : i32
    %add3A_68 = vector.broadcast %add3A_67 : i32 to vector<16xi32>
    %add3A_69 = arith.addi %add3A_65, %add3A_68 : vector<16xi32>
    %gather3A_70 = tpu.vector_load_idx %arg5[%add3A_69] : memref<2048xf32, #tpu.memory_space<vmem>>[vector<16xi32>], vector<16xf32>,
    %get3A_71 = arith.constant 48 : index
    %get3A_72 = tpu.vector_load %arg6[%get3A_71] {strides = array<i32>} : memref<1024xi32, #tpu.memory_space<vmem>>, vector<16xi32>,
    %gt3A_73 = arith.cmpf ogt, %gather3A_70, %gather3A_66 : vector<16xf32>
    %sub3A_74 = arith.subi %broadcast_in_dim3A_9, %get3A_72 : vector<16xi32>
    %select_n3A_75 = arith.select %gt3A_73, %sub3A_74, %broadcast_in_dim3A_11 : vector<16xi1>, vector<16xi32>
    %add3A_76 = arith.addi %add3A_58, %select_n3A_75 : vector<16xi32>
    %add3A_77 = arith.addi %add3A_59, %get3A_72 : vector<16xi32>
    %mul3A_78 = arith.constant 2 : i32
    %mul3A_79 = vector.broadcast %mul3A_78 : i32 to vector<16xi32>
    %mul3A_80 = arith.muli %mul3A_79, %iota3A : vector<16xi32>
    %add3A_81 = arith.constant 128 : i32
    %add3A_82 = vector.broadcast %add3A_81 : i32 to vector<16xi32>
    %add3A_83 = arith.addi %add3A_82, %mul3A_80 : vector<16xi32>
    %gather3A_84 = tpu.vector_load_idx %arg5[%add3A_83] : memref<2048xf32, #tpu.memory_space<vmem>>[vector<16xi32>], vector<16xf32>,
    %add3A_85 = arith.constant 1 : i32
    %add3A_86 = vector.broadcast %add3A_85 : i32 to vector<16xi32>
    %add3A_87 = arith.addi %add3A_83, %add3A_86 : vector<16xi32>
    %gather3A_88 = tpu.vector_load_idx %arg5[%add3A_87] : memref<2048xf32, #tpu.memory_space<vmem>>[vector<16xi32>], vector<16xf32>,
    %get3A_89 = arith.constant 64 : index
    %get3A_90 = tpu.vector_load %arg6[%get3A_89] {strides = array<i32>} : memref<1024xi32, #tpu.memory_space<vmem>>, vector<16xi32>,
    %gt3A_91 = arith.cmpf ogt, %gather3A_88, %gather3A_84 : vector<16xf32>
    %sub3A_92 = arith.subi %broadcast_in_dim3A_9, %get3A_90 : vector<16xi32>
    %select_n3A_93 = arith.select %gt3A_91, %sub3A_92, %broadcast_in_dim3A_11 : vector<16xi1>, vector<16xi32>
    %add3A_94 = arith.addi %add3A_76, %select_n3A_93 : vector<16xi32>
    %add3A_95 = arith.addi %add3A_77, %get3A_90 : vector<16xi32>
    %mul3A_96 = arith.constant 2 : i32
    %mul3A_97 = vector.broadcast %mul3A_96 : i32 to vector<16xi32>
    %mul3A_98 = arith.muli %mul3A_97, %iota3A : vector<16xi32>
    %add3A_99 = arith.constant 160 : i32
    %add3A_100 = vector.broadcast %add3A_99 : i32 to vector<16xi32>
    %add3A_101 = arith.addi %add3A_100, %mul3A_98 : vector<16xi32>
    %gather3A_102 = tpu.vector_load_idx %arg5[%add3A_101] : memref<2048xf32, #tpu.memory_space<vmem>>[vector<16xi32>], vector<16xf32>,
    %add3A_103 = arith.constant 1 : i32
    %add3A_104 = vector.broadcast %add3A_103 : i32 to vector<16xi32>
    %add3A_105 = arith.addi %add3A_101, %add3A_104 : vector<16xi32>
    %gather3A_106 = tpu.vector_load_idx %arg5[%add3A_105] : memref<2048xf32, #tpu.memory_space<vmem>>[vector<16xi32>], vector<16xf32>,
    %get3A_107 = arith.constant 80 : index
    %get3A_108 = tpu.vector_load %arg6[%get3A_107] {strides = array<i32>} : memref<1024xi32, #tpu.memory_space<vmem>>, vector<16xi32>,
    %gt3A_109 = arith.cmpf ogt, %gather3A_106, %gather3A_102 : vector<16xf32>
    %sub3A_110 = arith.subi %broadcast_in_dim3A_9, %get3A_108 : vector<16xi32>
    %select_n3A_111 = arith.select %gt3A_109, %sub3A_110, %broadcast_in_dim3A_11 : vector<16xi1>, vector<16xi32>
    %add3A_112 = arith.addi %add3A_94, %select_n3A_111 : vector<16xi32>
    %add3A_113 = arith.addi %add3A_95, %get3A_108 : vector<16xi32>
    %mul3A_114 = arith.constant 2 : i32
    %mul3A_115 = vector.broadcast %mul3A_114 : i32 to vector<16xi32>
    %mul3A_116 = arith.muli %mul3A_115, %iota3A : vector<16xi32>
    %add3A_117 = arith.constant 192 : i32
    %add3A_118 = vector.broadcast %add3A_117 : i32 to vector<16xi32>
    %add3A_119 = arith.addi %add3A_118, %mul3A_116 : vector<16xi32>
    %gather3A_120 = tpu.vector_load_idx %arg5[%add3A_119] : memref<2048xf32, #tpu.memory_space<vmem>>[vector<16xi32>], vector<16xf32>,
    %add3A_121 = arith.constant 1 : i32
    %add3A_122 = vector.broadcast %add3A_121 : i32 to vector<16xi32>
    %add3A_123 = arith.addi %add3A_119, %add3A_122 : vector<16xi32>
    %gather3A_124 = tpu.vector_load_idx %arg5[%add3A_123] : memref<2048xf32, #tpu.memory_space<vmem>>[vector<16xi32>], vector<16xf32>,
    %get3A_125 = arith.constant 96 : index
    %get3A_126 = tpu.vector_load %arg6[%get3A_125] {strides = array<i32>} : memref<1024xi32, #tpu.memory_space<vmem>>, vector<16xi32>,
    %gt3A_127 = arith.cmpf ogt, %gather3A_124, %gather3A_120 : vector<16xf32>
    %sub3A_128 = arith.subi %broadcast_in_dim3A_9, %get3A_126 : vector<16xi32>
    %select_n3A_129 = arith.select %gt3A_127, %sub3A_128, %broadcast_in_dim3A_11 : vector<16xi1>, vector<16xi32>
    %add3A_130 = arith.addi %add3A_112, %select_n3A_129 : vector<16xi32>
    %add3A_131 = arith.addi %add3A_113, %get3A_126 : vector<16xi32>
    %mul3A_132 = arith.constant 2 : i32
    %mul3A_133 = vector.broadcast %mul3A_132 : i32 to vector<16xi32>
    %mul3A_134 = arith.muli %mul3A_133, %iota3A : vector<16xi32>
    %add3A_135 = arith.constant 224 : i32
    %add3A_136 = vector.broadcast %add3A_135 : i32 to vector<16xi32>
    %add3A_137 = arith.addi %add3A_136, %mul3A_134 : vector<16xi32>
    %gather3A_138 = tpu.vector_load_idx %arg5[%add3A_137] : memref<2048xf32, #tpu.memory_space<vmem>>[vector<16xi32>], vector<16xf32>,
    %add3A_139 = arith.constant 1 : i32
    %add3A_140 = vector.broadcast %add3A_139 : i32 to vector<16xi32>
    %add3A_141 = arith.addi %add3A_137, %add3A_140 : vector<16xi32>
    %gather3A_142 = tpu.vector_load_idx %arg5[%add3A_141] : memref<2048xf32, #tpu.memory_space<vmem>>[vector<16xi32>], vector<16xf32>,
    %get3A_143 = arith.constant 112 : index
    %get3A_144 = tpu.vector_load %arg6[%get3A_143] {strides = array<i32>} : memref<1024xi32, #tpu.memory_space<vmem>>, vector<16xi32>,
    %gt3A_145 = arith.cmpf ogt, %gather3A_142, %gather3A_138 : vector<16xf32>
    %sub3A_146 = arith.subi %broadcast_in_dim3A_9, %get3A_144 : vector<16xi32>
    %select_n3A_147 = arith.select %gt3A_145, %sub3A_146, %broadcast_in_dim3A_11 : vector<16xi1>, vector<16xi32>
    %add3A_148 = arith.addi %add3A_130, %select_n3A_147 : vector<16xi32>
    %add3A_149 = arith.addi %add3A_131, %get3A_144 : vector<16xi32>
    %mul3A_150 = arith.constant 2 : i32
    %mul3A_151 = vector.broadcast %mul3A_150 : i32 to vector<16xi32>
    %mul3A_152 = arith.muli %mul3A_151, %iota3A : vector<16xi32>
    %add3A_153 = arith.constant 256 : i32
    %add3A_154 = vector.broadcast %add3A_153 : i32 to vector<16xi32>
    %add3A_155 = arith.addi %add3A_154, %mul3A_152 : vector<16xi32>
    %gather3A_156 = tpu.vector_load_idx %arg5[%add3A_155] : memref<2048xf32, #tpu.memory_space<vmem>>[vector<16xi32>], vector<16xf32>,
    %add3A_157 = arith.constant 1 : i32
    %add3A_158 = vector.broadcast %add3A_157 : i32 to vector<16xi32>
    %add3A_159 = arith.addi %add3A_155, %add3A_158 : vector<16xi32>
    %gather3A_160 = tpu.vector_load_idx %arg5[%add3A_159] : memref<2048xf32, #tpu.memory_space<vmem>>[vector<16xi32>], vector<16xf32>,
    %get3A_161 = arith.constant 128 : index
    %get3A_162 = tpu.vector_load %arg6[%get3A_161] {strides = array<i32>} : memref<1024xi32, #tpu.memory_space<vmem>>, vector<16xi32>,
    %gt3A_163 = arith.cmpf ogt, %gather3A_160, %gather3A_156 : vector<16xf32>
    %sub3A_164 = arith.subi %broadcast_in_dim3A_9, %get3A_162 : vector<16xi32>
    %select_n3A_165 = arith.select %gt3A_163, %sub3A_164, %broadcast_in_dim3A_11 : vector<16xi1>, vector<16xi32>
    %add3A_166 = arith.addi %add3A_148, %select_n3A_165 : vector<16xi32>
    %add3A_167 = arith.addi %add3A_149, %get3A_162 : vector<16xi32>
    %mul3A_168 = arith.constant 2 : i32
    %mul3A_169 = vector.broadcast %mul3A_168 : i32 to vector<16xi32>
    %mul3A_170 = arith.muli %mul3A_169, %iota3A : vector<16xi32>
    %add3A_171 = arith.constant 288 : i32
    %add3A_172 = vector.broadcast %add3A_171 : i32 to vector<16xi32>
    %add3A_173 = arith.addi %add3A_172, %mul3A_170 : vector<16xi32>
    %gather3A_174 = tpu.vector_load_idx %arg5[%add3A_173] : memref<2048xf32, #tpu.memory_space<vmem>>[vector<16xi32>], vector<16xf32>,
    %add3A_175 = arith.constant 1 : i32
    %add3A_176 = vector.broadcast %add3A_175 : i32 to vector<16xi32>
    %add3A_177 = arith.addi %add3A_173, %add3A_176 : vector<16xi32>
    %gather3A_178 = tpu.vector_load_idx %arg5[%add3A_177] : memref<2048xf32, #tpu.memory_space<vmem>>[vector<16xi32>], vector<16xf32>,
    %get3A_179 = arith.constant 144 : index
    %get3A_180 = tpu.vector_load %arg6[%get3A_179] {strides = array<i32>} : memref<1024xi32, #tpu.memory_space<vmem>>, vector<16xi32>,
    %gt3A_181 = arith.cmpf ogt, %gather3A_178, %gather3A_174 : vector<16xf32>
    %sub3A_182 = arith.subi %broadcast_in_dim3A_9, %get3A_180 : vector<16xi32>
    %select_n3A_183 = arith.select %gt3A_181, %sub3A_182, %broadcast_in_dim3A_11 : vector<16xi1>, vector<16xi32>
    %add3A_184 = arith.addi %add3A_166, %select_n3A_183 : vector<16xi32>
    %add3A_185 = arith.addi %add3A_167, %get3A_180 : vector<16xi32>
    %mul3A_186 = arith.constant 2 : i32
    %mul3A_187 = vector.broadcast %mul3A_186 : i32 to vector<16xi32>
    %mul3A_188 = arith.muli %mul3A_187, %iota3A : vector<16xi32>
    %add3A_189 = arith.constant 320 : i32
    %add3A_190 = vector.broadcast %add3A_189 : i32 to vector<16xi32>
    %add3A_191 = arith.addi %add3A_190, %mul3A_188 : vector<16xi32>
    %gather3A_192 = tpu.vector_load_idx %arg5[%add3A_191] : memref<2048xf32, #tpu.memory_space<vmem>>[vector<16xi32>], vector<16xf32>,
    %add3A_193 = arith.constant 1 : i32
    %add3A_194 = vector.broadcast %add3A_193 : i32 to vector<16xi32>
    %add3A_195 = arith.addi %add3A_191, %add3A_194 : vector<16xi32>
    %gather3A_196 = tpu.vector_load_idx %arg5[%add3A_195] : memref<2048xf32, #tpu.memory_space<vmem>>[vector<16xi32>], vector<16xf32>,
    %get3A_197 = arith.constant 160 : index
    %get3A_198 = tpu.vector_load %arg6[%get3A_197] {strides = array<i32>} : memref<1024xi32, #tpu.memory_space<vmem>>, vector<16xi32>,
    %gt3A_199 = arith.cmpf ogt, %gather3A_196, %gather3A_192 : vector<16xf32>
    %sub3A_200 = arith.subi %broadcast_in_dim3A_9, %get3A_198 : vector<16xi32>
    %select_n3A_201 = arith.select %gt3A_199, %sub3A_200, %broadcast_in_dim3A_11 : vector<16xi1>, vector<16xi32>
    %add3A_202 = arith.addi %add3A_184, %select_n3A_201 : vector<16xi32>
    %add3A_203 = arith.addi %add3A_185, %get3A_198 : vector<16xi32>
    %mul3A_204 = arith.constant 2 : i32
    %mul3A_205 = vector.broadcast %mul3A_204 : i32 to vector<16xi32>
    %mul3A_206 = arith.muli %mul3A_205, %iota3A : vector<16xi32>
    %add3A_207 = arith.constant 352 : i32
    %add3A_208 = vector.broadcast %add3A_207 : i32 to vector<16xi32>
    %add3A_209 = arith.addi %add3A_208, %mul3A_206 : vector<16xi32>
    %gather3A_210 = tpu.vector_load_idx %arg5[%add3A_209] : memref<2048xf32, #tpu.memory_space<vmem>>[vector<16xi32>], vector<16xf32>,
    %add3A_211 = arith.constant 1 : i32
    %add3A_212 = vector.broadcast %add3A_211 : i32 to vector<16xi32>
    %add3A_213 = arith.addi %add3A_209, %add3A_212 : vector<16xi32>
    %gather3A_214 = tpu.vector_load_idx %arg5[%add3A_213] : memref<2048xf32, #tpu.memory_space<vmem>>[vector<16xi32>], vector<16xf32>,
    %get3A_215 = arith.constant 176 : index
    %get3A_216 = tpu.vector_load %arg6[%get3A_215] {strides = array<i32>} : memref<1024xi32, #tpu.memory_space<vmem>>, vector<16xi32>,
    %gt3A_217 = arith.cmpf ogt, %gather3A_214, %gather3A_210 : vector<16xf32>
    %sub3A_218 = arith.subi %broadcast_in_dim3A_9, %get3A_216 : vector<16xi32>
    %select_n3A_219 = arith.select %gt3A_217, %sub3A_218, %broadcast_in_dim3A_11 : vector<16xi1>, vector<16xi32>
    %add3A_220 = arith.addi %add3A_202, %select_n3A_219 : vector<16xi32>
    %add3A_221 = arith.addi %add3A_203, %get3A_216 : vector<16xi32>
    %mul3A_222 = arith.constant 2 : i32
    %mul3A_223 = vector.broadcast %mul3A_222 : i32 to vector<16xi32>
    %mul3A_224 = arith.muli %mul3A_223, %iota3A : vector<16xi32>
    %add3A_225 = arith.constant 384 : i32
    %add3A_226 = vector.broadcast %add3A_225 : i32 to vector<16xi32>
    %add3A_227 = arith.addi %add3A_226, %mul3A_224 : vector<16xi32>
    %gather3A_228 = tpu.vector_load_idx %arg5[%add3A_227] : memref<2048xf32, #tpu.memory_space<vmem>>[vector<16xi32>], vector<16xf32>,
    %add3A_229 = arith.constant 1 : i32
    %add3A_230 = vector.broadcast %add3A_229 : i32 to vector<16xi32>
    %add3A_231 = arith.addi %add3A_227, %add3A_230 : vector<16xi32>
    %gather3A_232 = tpu.vector_load_idx %arg5[%add3A_231] : memref<2048xf32, #tpu.memory_space<vmem>>[vector<16xi32>], vector<16xf32>,
    %get3A_233 = arith.constant 192 : index
    %get3A_234 = tpu.vector_load %arg6[%get3A_233] {strides = array<i32>} : memref<1024xi32, #tpu.memory_space<vmem>>, vector<16xi32>,
    %gt3A_235 = arith.cmpf ogt, %gather3A_232, %gather3A_228 : vector<16xf32>
    %sub3A_236 = arith.subi %broadcast_in_dim3A_9, %get3A_234 : vector<16xi32>
    %select_n3A_237 = arith.select %gt3A_235, %sub3A_236, %broadcast_in_dim3A_11 : vector<16xi1>, vector<16xi32>
    %add3A_238 = arith.addi %add3A_220, %select_n3A_237 : vector<16xi32>
    %add3A_239 = arith.addi %add3A_221, %get3A_234 : vector<16xi32>
    %mul3A_240 = arith.constant 2 : i32
    %mul3A_241 = vector.broadcast %mul3A_240 : i32 to vector<16xi32>
    %mul3A_242 = arith.muli %mul3A_241, %iota3A : vector<16xi32>
    %add3A_243 = arith.constant 416 : i32
    %add3A_244 = vector.broadcast %add3A_243 : i32 to vector<16xi32>
    %add3A_245 = arith.addi %add3A_244, %mul3A_242 : vector<16xi32>
    %gather3A_246 = tpu.vector_load_idx %arg5[%add3A_245] : memref<2048xf32, #tpu.memory_space<vmem>>[vector<16xi32>], vector<16xf32>,
    %add3A_247 = arith.constant 1 : i32
    %add3A_248 = vector.broadcast %add3A_247 : i32 to vector<16xi32>
    %add3A_249 = arith.addi %add3A_245, %add3A_248 : vector<16xi32>
    %gather3A_250 = tpu.vector_load_idx %arg5[%add3A_249] : memref<2048xf32, #tpu.memory_space<vmem>>[vector<16xi32>], vector<16xf32>,
    %get3A_251 = arith.constant 208 : index
    %get3A_252 = tpu.vector_load %arg6[%get3A_251] {strides = array<i32>} : memref<1024xi32, #tpu.memory_space<vmem>>, vector<16xi32>,
    %gt3A_253 = arith.cmpf ogt, %gather3A_250, %gather3A_246 : vector<16xf32>
    %sub3A_254 = arith.subi %broadcast_in_dim3A_9, %get3A_252 : vector<16xi32>
    %select_n3A_255 = arith.select %gt3A_253, %sub3A_254, %broadcast_in_dim3A_11 : vector<16xi1>, vector<16xi32>
    %add3A_256 = arith.addi %add3A_238, %select_n3A_255 : vector<16xi32>
    %add3A_257 = arith.addi %add3A_239, %get3A_252 : vector<16xi32>
    %mul3A_258 = arith.constant 2 : i32
    %mul3A_259 = vector.broadcast %mul3A_258 : i32 to vector<16xi32>
    %mul3A_260 = arith.muli %mul3A_259, %iota3A : vector<16xi32>
    %add3A_261 = arith.constant 448 : i32
    %add3A_262 = vector.broadcast %add3A_261 : i32 to vector<16xi32>
    %add3A_263 = arith.addi %add3A_262, %mul3A_260 : vector<16xi32>
    %gather3A_264 = tpu.vector_load_idx %arg5[%add3A_263] : memref<2048xf32, #tpu.memory_space<vmem>>[vector<16xi32>], vector<16xf32>,
    %add3A_265 = arith.constant 1 : i32
    %add3A_266 = vector.broadcast %add3A_265 : i32 to vector<16xi32>
    %add3A_267 = arith.addi %add3A_263, %add3A_266 : vector<16xi32>
    %gather3A_268 = tpu.vector_load_idx %arg5[%add3A_267] : memref<2048xf32, #tpu.memory_space<vmem>>[vector<16xi32>], vector<16xf32>,
    %get3A_269 = arith.constant 224 : index
    %get3A_270 = tpu.vector_load %arg6[%get3A_269] {strides = array<i32>} : memref<1024xi32, #tpu.memory_space<vmem>>, vector<16xi32>,
    %gt3A_271 = arith.cmpf ogt, %gather3A_268, %gather3A_264 : vector<16xf32>
    %sub3A_272 = arith.subi %broadcast_in_dim3A_9, %get3A_270 : vector<16xi32>
    %select_n3A_273 = arith.select %gt3A_271, %sub3A_272, %broadcast_in_dim3A_11 : vector<16xi1>, vector<16xi32>
    %add3A_274 = arith.addi %add3A_256, %select_n3A_273 : vector<16xi32>
    %add3A_275 = arith.addi %add3A_257, %get3A_270 : vector<16xi32>
    %mul3A_276 = arith.constant 2 : i32
    %mul3A_277 = vector.broadcast %mul3A_276 : i32 to vector<16xi32>
    %mul3A_278 = arith.muli %mul3A_277, %iota3A : vector<16xi32>
    %add3A_279 = arith.constant 480 : i32
    %add3A_280 = vector.broadcast %add3A_279 : i32 to vector<16xi32>
    %add3A_281 = arith.addi %add3A_280, %mul3A_278 : vector<16xi32>
    %gather3A_282 = tpu.vector_load_idx %arg5[%add3A_281] : memref<2048xf32, #tpu.memory_space<vmem>>[vector<16xi32>], vector<16xf32>,
    %add3A_283 = arith.constant 1 : i32
    %add3A_284 = vector.broadcast %add3A_283 : i32 to vector<16xi32>
    %add3A_285 = arith.addi %add3A_281, %add3A_284 : vector<16xi32>
    %gather3A_286 = tpu.vector_load_idx %arg5[%add3A_285] : memref<2048xf32, #tpu.memory_space<vmem>>[vector<16xi32>], vector<16xf32>,
    %get3A_287 = arith.constant 240 : index
    %get3A_288 = tpu.vector_load %arg6[%get3A_287] {strides = array<i32>} : memref<1024xi32, #tpu.memory_space<vmem>>, vector<16xi32>,
    %gt3A_289 = arith.cmpf ogt, %gather3A_286, %gather3A_282 : vector<16xf32>
    %sub3A_290 = arith.subi %broadcast_in_dim3A_9, %get3A_288 : vector<16xi32>
    %select_n3A_291 = arith.select %gt3A_289, %sub3A_290, %broadcast_in_dim3A_11 : vector<16xi1>, vector<16xi32>
    %add3A_292 = arith.addi %add3A_274, %select_n3A_291 : vector<16xi32>
    %add3A_293 = arith.addi %add3A_275, %get3A_288 : vector<16xi32>
    %mul3A_294 = arith.constant 2 : i32
    %mul3A_295 = vector.broadcast %mul3A_294 : i32 to vector<16xi32>
    %mul3A_296 = arith.muli %mul3A_295, %iota3A : vector<16xi32>
    %add3A_297 = arith.constant 512 : i32
    %add3A_298 = vector.broadcast %add3A_297 : i32 to vector<16xi32>
    %add3A_299 = arith.addi %add3A_298, %mul3A_296 : vector<16xi32>
    %gather3A_300 = tpu.vector_load_idx %arg5[%add3A_299] : memref<2048xf32, #tpu.memory_space<vmem>>[vector<16xi32>], vector<16xf32>,
    %add3A_301 = arith.constant 1 : i32
    %add3A_302 = vector.broadcast %add3A_301 : i32 to vector<16xi32>
    %add3A_303 = arith.addi %add3A_299, %add3A_302 : vector<16xi32>
    %gather3A_304 = tpu.vector_load_idx %arg5[%add3A_303] : memref<2048xf32, #tpu.memory_space<vmem>>[vector<16xi32>], vector<16xf32>,
    %get3A_305 = arith.constant 256 : index
    %get3A_306 = tpu.vector_load %arg6[%get3A_305] {strides = array<i32>} : memref<1024xi32, #tpu.memory_space<vmem>>, vector<16xi32>,
    %gt3A_307 = arith.cmpf ogt, %gather3A_304, %gather3A_300 : vector<16xf32>
    %sub3A_308 = arith.subi %broadcast_in_dim3A_9, %get3A_306 : vector<16xi32>
    %select_n3A_309 = arith.select %gt3A_307, %sub3A_308, %broadcast_in_dim3A_11 : vector<16xi1>, vector<16xi32>
    %add3A_310 = arith.addi %add3A_292, %select_n3A_309 : vector<16xi32>
    %add3A_311 = arith.addi %add3A_293, %get3A_306 : vector<16xi32>
    %mul3A_312 = arith.constant 2 : i32
    %mul3A_313 = vector.broadcast %mul3A_312 : i32 to vector<16xi32>
    %mul3A_314 = arith.muli %mul3A_313, %iota3A : vector<16xi32>
    %add3A_315 = arith.constant 544 : i32
    %add3A_316 = vector.broadcast %add3A_315 : i32 to vector<16xi32>
    %add3A_317 = arith.addi %add3A_316, %mul3A_314 : vector<16xi32>
    %gather3A_318 = tpu.vector_load_idx %arg5[%add3A_317] : memref<2048xf32, #tpu.memory_space<vmem>>[vector<16xi32>], vector<16xf32>,
    %add3A_319 = arith.constant 1 : i32
    %add3A_320 = vector.broadcast %add3A_319 : i32 to vector<16xi32>
    %add3A_321 = arith.addi %add3A_317, %add3A_320 : vector<16xi32>
    %gather3A_322 = tpu.vector_load_idx %arg5[%add3A_321] : memref<2048xf32, #tpu.memory_space<vmem>>[vector<16xi32>], vector<16xf32>,
    %get3A_323 = arith.constant 272 : index
    %get3A_324 = tpu.vector_load %arg6[%get3A_323] {strides = array<i32>} : memref<1024xi32, #tpu.memory_space<vmem>>, vector<16xi32>,
    %gt3A_325 = arith.cmpf ogt, %gather3A_322, %gather3A_318 : vector<16xf32>
    %sub3A_326 = arith.subi %broadcast_in_dim3A_9, %get3A_324 : vector<16xi32>
    %select_n3A_327 = arith.select %gt3A_325, %sub3A_326, %broadcast_in_dim3A_11 : vector<16xi1>, vector<16xi32>
    %add3A_328 = arith.addi %add3A_310, %select_n3A_327 : vector<16xi32>
    %add3A_329 = arith.addi %add3A_311, %get3A_324 : vector<16xi32>
    %mul3A_330 = arith.constant 2 : i32
    %mul3A_331 = vector.broadcast %mul3A_330 : i32 to vector<16xi32>
    %mul3A_332 = arith.muli %mul3A_331, %iota3A : vector<16xi32>
    %add3A_333 = arith.constant 576 : i32
    %add3A_334 = vector.broadcast %add3A_333 : i32 to vector<16xi32>
    %add3A_335 = arith.addi %add3A_334, %mul3A_332 : vector<16xi32>
    %gather3A_336 = tpu.vector_load_idx %arg5[%add3A_335] : memref<2048xf32, #tpu.memory_space<vmem>>[vector<16xi32>], vector<16xf32>,
    %add3A_337 = arith.constant 1 : i32
    %add3A_338 = vector.broadcast %add3A_337 : i32 to vector<16xi32>
    %add3A_339 = arith.addi %add3A_335, %add3A_338 : vector<16xi32>
    %gather3A_340 = tpu.vector_load_idx %arg5[%add3A_339] : memref<2048xf32, #tpu.memory_space<vmem>>[vector<16xi32>], vector<16xf32>,
    %get3A_341 = arith.constant 288 : index
    %get3A_342 = tpu.vector_load %arg6[%get3A_341] {strides = array<i32>} : memref<1024xi32, #tpu.memory_space<vmem>>, vector<16xi32>,
    %gt3A_343 = arith.cmpf ogt, %gather3A_340, %gather3A_336 : vector<16xf32>
    %sub3A_344 = arith.subi %broadcast_in_dim3A_9, %get3A_342 : vector<16xi32>
    %select_n3A_345 = arith.select %gt3A_343, %sub3A_344, %broadcast_in_dim3A_11 : vector<16xi1>, vector<16xi32>
    %add3A_346 = arith.addi %add3A_328, %select_n3A_345 : vector<16xi32>
    %add3A_347 = arith.addi %add3A_329, %get3A_342 : vector<16xi32>
    %mul3A_348 = arith.constant 2 : i32
    %mul3A_349 = vector.broadcast %mul3A_348 : i32 to vector<16xi32>
    %mul3A_350 = arith.muli %mul3A_349, %iota3A : vector<16xi32>
    %add3A_351 = arith.constant 608 : i32
    %add3A_352 = vector.broadcast %add3A_351 : i32 to vector<16xi32>
    %add3A_353 = arith.addi %add3A_352, %mul3A_350 : vector<16xi32>
    %gather3A_354 = tpu.vector_load_idx %arg5[%add3A_353] : memref<2048xf32, #tpu.memory_space<vmem>>[vector<16xi32>], vector<16xf32>,
    %add3A_355 = arith.constant 1 : i32
    %add3A_356 = vector.broadcast %add3A_355 : i32 to vector<16xi32>
    %add3A_357 = arith.addi %add3A_353, %add3A_356 : vector<16xi32>
    %gather3A_358 = tpu.vector_load_idx %arg5[%add3A_357] : memref<2048xf32, #tpu.memory_space<vmem>>[vector<16xi32>], vector<16xf32>,
    %get3A_359 = arith.constant 304 : index
    %get3A_360 = tpu.vector_load %arg6[%get3A_359] {strides = array<i32>} : memref<1024xi32, #tpu.memory_space<vmem>>, vector<16xi32>,
    %gt3A_361 = arith.cmpf ogt, %gather3A_358, %gather3A_354 : vector<16xf32>
    %sub3A_362 = arith.subi %broadcast_in_dim3A_9, %get3A_360 : vector<16xi32>
    %select_n3A_363 = arith.select %gt3A_361, %sub3A_362, %broadcast_in_dim3A_11 : vector<16xi1>, vector<16xi32>
    %add3A_364 = arith.addi %add3A_346, %select_n3A_363 : vector<16xi32>
    %add3A_365 = arith.addi %add3A_347, %get3A_360 : vector<16xi32>
    %mul3A_366 = arith.constant 2 : i32
    %mul3A_367 = vector.broadcast %mul3A_366 : i32 to vector<16xi32>
    %mul3A_368 = arith.muli %mul3A_367, %iota3A : vector<16xi32>
    %add3A_369 = arith.constant 640 : i32
    %add3A_370 = vector.broadcast %add3A_369 : i32 to vector<16xi32>
    %add3A_371 = arith.addi %add3A_370, %mul3A_368 : vector<16xi32>
    %gather3A_372 = tpu.vector_load_idx %arg5[%add3A_371] : memref<2048xf32, #tpu.memory_space<vmem>>[vector<16xi32>], vector<16xf32>,
    %add3A_373 = arith.constant 1 : i32
    %add3A_374 = vector.broadcast %add3A_373 : i32 to vector<16xi32>
    %add3A_375 = arith.addi %add3A_371, %add3A_374 : vector<16xi32>
    %gather3A_376 = tpu.vector_load_idx %arg5[%add3A_375] : memref<2048xf32, #tpu.memory_space<vmem>>[vector<16xi32>], vector<16xf32>,
    %get3A_377 = arith.constant 320 : index
    %get3A_378 = tpu.vector_load %arg6[%get3A_377] {strides = array<i32>} : memref<1024xi32, #tpu.memory_space<vmem>>, vector<16xi32>,
    %gt3A_379 = arith.cmpf ogt, %gather3A_376, %gather3A_372 : vector<16xf32>
    %sub3A_380 = arith.subi %broadcast_in_dim3A_9, %get3A_378 : vector<16xi32>
    %select_n3A_381 = arith.select %gt3A_379, %sub3A_380, %broadcast_in_dim3A_11 : vector<16xi1>, vector<16xi32>
    %add3A_382 = arith.addi %add3A_364, %select_n3A_381 : vector<16xi32>
    %add3A_383 = arith.addi %add3A_365, %get3A_378 : vector<16xi32>
    %mul3A_384 = arith.constant 2 : i32
    %mul3A_385 = vector.broadcast %mul3A_384 : i32 to vector<16xi32>
    %mul3A_386 = arith.muli %mul3A_385, %iota3A : vector<16xi32>
    %add3A_387 = arith.constant 672 : i32
    %add3A_388 = vector.broadcast %add3A_387 : i32 to vector<16xi32>
    %add3A_389 = arith.addi %add3A_388, %mul3A_386 : vector<16xi32>
    %gather3A_390 = tpu.vector_load_idx %arg5[%add3A_389] : memref<2048xf32, #tpu.memory_space<vmem>>[vector<16xi32>], vector<16xf32>,
    %add3A_391 = arith.constant 1 : i32
    %add3A_392 = vector.broadcast %add3A_391 : i32 to vector<16xi32>
    %add3A_393 = arith.addi %add3A_389, %add3A_392 : vector<16xi32>
    %gather3A_394 = tpu.vector_load_idx %arg5[%add3A_393] : memref<2048xf32, #tpu.memory_space<vmem>>[vector<16xi32>], vector<16xf32>,
    %get3A_395 = arith.constant 336 : index
    %get3A_396 = tpu.vector_load %arg6[%get3A_395] {strides = array<i32>} : memref<1024xi32, #tpu.memory_space<vmem>>, vector<16xi32>,
    %gt3A_397 = arith.cmpf ogt, %gather3A_394, %gather3A_390 : vector<16xf32>
    %sub3A_398 = arith.subi %broadcast_in_dim3A_9, %get3A_396 : vector<16xi32>
    %select_n3A_399 = arith.select %gt3A_397, %sub3A_398, %broadcast_in_dim3A_11 : vector<16xi1>, vector<16xi32>
    %add3A_400 = arith.addi %add3A_382, %select_n3A_399 : vector<16xi32>
    %add3A_401 = arith.addi %add3A_383, %get3A_396 : vector<16xi32>
    %mul3A_402 = arith.constant 2 : i32
    %mul3A_403 = vector.broadcast %mul3A_402 : i32 to vector<16xi32>
    %mul3A_404 = arith.muli %mul3A_403, %iota3A : vector<16xi32>
    %add3A_405 = arith.constant 704 : i32
    %add3A_406 = vector.broadcast %add3A_405 : i32 to vector<16xi32>
    %add3A_407 = arith.addi %add3A_406, %mul3A_404 : vector<16xi32>
    %gather3A_408 = tpu.vector_load_idx %arg5[%add3A_407] : memref<2048xf32, #tpu.memory_space<vmem>>[vector<16xi32>], vector<16xf32>,
    %add3A_409 = arith.constant 1 : i32
    %add3A_410 = vector.broadcast %add3A_409 : i32 to vector<16xi32>
    %add3A_411 = arith.addi %add3A_407, %add3A_410 : vector<16xi32>
    %gather3A_412 = tpu.vector_load_idx %arg5[%add3A_411] : memref<2048xf32, #tpu.memory_space<vmem>>[vector<16xi32>], vector<16xf32>,
    %get3A_413 = arith.constant 352 : index
    %get3A_414 = tpu.vector_load %arg6[%get3A_413] {strides = array<i32>} : memref<1024xi32, #tpu.memory_space<vmem>>, vector<16xi32>,
    %gt3A_415 = arith.cmpf ogt, %gather3A_412, %gather3A_408 : vector<16xf32>
    %sub3A_416 = arith.subi %broadcast_in_dim3A_9, %get3A_414 : vector<16xi32>
    %select_n3A_417 = arith.select %gt3A_415, %sub3A_416, %broadcast_in_dim3A_11 : vector<16xi1>, vector<16xi32>
    %add3A_418 = arith.addi %add3A_400, %select_n3A_417 : vector<16xi32>
    %add3A_419 = arith.addi %add3A_401, %get3A_414 : vector<16xi32>
    %mul3A_420 = arith.constant 2 : i32
    %mul3A_421 = vector.broadcast %mul3A_420 : i32 to vector<16xi32>
    %mul3A_422 = arith.muli %mul3A_421, %iota3A : vector<16xi32>
    %add3A_423 = arith.constant 736 : i32
    %add3A_424 = vector.broadcast %add3A_423 : i32 to vector<16xi32>
    %add3A_425 = arith.addi %add3A_424, %mul3A_422 : vector<16xi32>
    %gather3A_426 = tpu.vector_load_idx %arg5[%add3A_425] : memref<2048xf32, #tpu.memory_space<vmem>>[vector<16xi32>], vector<16xf32>,
    %add3A_427 = arith.constant 1 : i32
    %add3A_428 = vector.broadcast %add3A_427 : i32 to vector<16xi32>
    %add3A_429 = arith.addi %add3A_425, %add3A_428 : vector<16xi32>
    %gather3A_430 = tpu.vector_load_idx %arg5[%add3A_429] : memref<2048xf32, #tpu.memory_space<vmem>>[vector<16xi32>], vector<16xf32>,
    %get3A_431 = arith.constant 368 : index
    %get3A_432 = tpu.vector_load %arg6[%get3A_431] {strides = array<i32>} : memref<1024xi32, #tpu.memory_space<vmem>>, vector<16xi32>,
    %gt3A_433 = arith.cmpf ogt, %gather3A_430, %gather3A_426 : vector<16xf32>
    %sub3A_434 = arith.subi %broadcast_in_dim3A_9, %get3A_432 : vector<16xi32>
    %select_n3A_435 = arith.select %gt3A_433, %sub3A_434, %broadcast_in_dim3A_11 : vector<16xi1>, vector<16xi32>
    %add3A_436 = arith.addi %add3A_418, %select_n3A_435 : vector<16xi32>
    %add3A_437 = arith.addi %add3A_419, %get3A_432 : vector<16xi32>
    %mul3A_438 = arith.constant 2 : i32
    %mul3A_439 = vector.broadcast %mul3A_438 : i32 to vector<16xi32>
    %mul3A_440 = arith.muli %mul3A_439, %iota3A : vector<16xi32>
    %add3A_441 = arith.constant 768 : i32
    %add3A_442 = vector.broadcast %add3A_441 : i32 to vector<16xi32>
    %add3A_443 = arith.addi %add3A_442, %mul3A_440 : vector<16xi32>
    %gather3A_444 = tpu.vector_load_idx %arg5[%add3A_443] : memref<2048xf32, #tpu.memory_space<vmem>>[vector<16xi32>], vector<16xf32>,
    %add3A_445 = arith.constant 1 : i32
    %add3A_446 = vector.broadcast %add3A_445 : i32 to vector<16xi32>
    %add3A_447 = arith.addi %add3A_443, %add3A_446 : vector<16xi32>
    %gather3A_448 = tpu.vector_load_idx %arg5[%add3A_447] : memref<2048xf32, #tpu.memory_space<vmem>>[vector<16xi32>], vector<16xf32>,
    %get3A_449 = arith.constant 384 : index
    %get3A_450 = tpu.vector_load %arg6[%get3A_449] {strides = array<i32>} : memref<1024xi32, #tpu.memory_space<vmem>>, vector<16xi32>,
    %gt3A_451 = arith.cmpf ogt, %gather3A_448, %gather3A_444 : vector<16xf32>
    %sub3A_452 = arith.subi %broadcast_in_dim3A_9, %get3A_450 : vector<16xi32>
    %select_n3A_453 = arith.select %gt3A_451, %sub3A_452, %broadcast_in_dim3A_11 : vector<16xi1>, vector<16xi32>
    %add3A_454 = arith.addi %add3A_436, %select_n3A_453 : vector<16xi32>
    %add3A_455 = arith.addi %add3A_437, %get3A_450 : vector<16xi32>
    %mul3A_456 = arith.constant 2 : i32
    %mul3A_457 = vector.broadcast %mul3A_456 : i32 to vector<16xi32>
    %mul3A_458 = arith.muli %mul3A_457, %iota3A : vector<16xi32>
    %add3A_459 = arith.constant 800 : i32
    %add3A_460 = vector.broadcast %add3A_459 : i32 to vector<16xi32>
    %add3A_461 = arith.addi %add3A_460, %mul3A_458 : vector<16xi32>
    %gather3A_462 = tpu.vector_load_idx %arg5[%add3A_461] : memref<2048xf32, #tpu.memory_space<vmem>>[vector<16xi32>], vector<16xf32>,
    %add3A_463 = arith.constant 1 : i32
    %add3A_464 = vector.broadcast %add3A_463 : i32 to vector<16xi32>
    %add3A_465 = arith.addi %add3A_461, %add3A_464 : vector<16xi32>
    %gather3A_466 = tpu.vector_load_idx %arg5[%add3A_465] : memref<2048xf32, #tpu.memory_space<vmem>>[vector<16xi32>], vector<16xf32>,
    %get3A_467 = arith.constant 400 : index
    %get3A_468 = tpu.vector_load %arg6[%get3A_467] {strides = array<i32>} : memref<1024xi32, #tpu.memory_space<vmem>>, vector<16xi32>,
    %gt3A_469 = arith.cmpf ogt, %gather3A_466, %gather3A_462 : vector<16xf32>
    %sub3A_470 = arith.subi %broadcast_in_dim3A_9, %get3A_468 : vector<16xi32>
    %select_n3A_471 = arith.select %gt3A_469, %sub3A_470, %broadcast_in_dim3A_11 : vector<16xi1>, vector<16xi32>
    %add3A_472 = arith.addi %add3A_454, %select_n3A_471 : vector<16xi32>
    %add3A_473 = arith.addi %add3A_455, %get3A_468 : vector<16xi32>
    %mul3A_474 = arith.constant 2 : i32
    %mul3A_475 = vector.broadcast %mul3A_474 : i32 to vector<16xi32>
    %mul3A_476 = arith.muli %mul3A_475, %iota3A : vector<16xi32>
    %add3A_477 = arith.constant 832 : i32
    %add3A_478 = vector.broadcast %add3A_477 : i32 to vector<16xi32>
    %add3A_479 = arith.addi %add3A_478, %mul3A_476 : vector<16xi32>
    %gather3A_480 = tpu.vector_load_idx %arg5[%add3A_479] : memref<2048xf32, #tpu.memory_space<vmem>>[vector<16xi32>], vector<16xf32>,
    %add3A_481 = arith.constant 1 : i32
    %add3A_482 = vector.broadcast %add3A_481 : i32 to vector<16xi32>
    %add3A_483 = arith.addi %add3A_479, %add3A_482 : vector<16xi32>
    %gather3A_484 = tpu.vector_load_idx %arg5[%add3A_483] : memref<2048xf32, #tpu.memory_space<vmem>>[vector<16xi32>], vector<16xf32>,
    %get3A_485 = arith.constant 416 : index
    %get3A_486 = tpu.vector_load %arg6[%get3A_485] {strides = array<i32>} : memref<1024xi32, #tpu.memory_space<vmem>>, vector<16xi32>,
    %gt3A_487 = arith.cmpf ogt, %gather3A_484, %gather3A_480 : vector<16xf32>
    %sub3A_488 = arith.subi %broadcast_in_dim3A_9, %get3A_486 : vector<16xi32>
    %select_n3A_489 = arith.select %gt3A_487, %sub3A_488, %broadcast_in_dim3A_11 : vector<16xi1>, vector<16xi32>
    %add3A_490 = arith.addi %add3A_472, %select_n3A_489 : vector<16xi32>
    %add3A_491 = arith.addi %add3A_473, %get3A_486 : vector<16xi32>
    %mul3A_492 = arith.constant 2 : i32
    %mul3A_493 = vector.broadcast %mul3A_492 : i32 to vector<16xi32>
    %mul3A_494 = arith.muli %mul3A_493, %iota3A : vector<16xi32>
    %add3A_495 = arith.constant 864 : i32
    %add3A_496 = vector.broadcast %add3A_495 : i32 to vector<16xi32>
    %add3A_497 = arith.addi %add3A_496, %mul3A_494 : vector<16xi32>
    %gather3A_498 = tpu.vector_load_idx %arg5[%add3A_497] : memref<2048xf32, #tpu.memory_space<vmem>>[vector<16xi32>], vector<16xf32>,
    %add3A_499 = arith.constant 1 : i32
    %add3A_500 = vector.broadcast %add3A_499 : i32 to vector<16xi32>
    %add3A_501 = arith.addi %add3A_497, %add3A_500 : vector<16xi32>
    %gather3A_502 = tpu.vector_load_idx %arg5[%add3A_501] : memref<2048xf32, #tpu.memory_space<vmem>>[vector<16xi32>], vector<16xf32>,
    %get3A_503 = arith.constant 432 : index
    %get3A_504 = tpu.vector_load %arg6[%get3A_503] {strides = array<i32>} : memref<1024xi32, #tpu.memory_space<vmem>>, vector<16xi32>,
    %gt3A_505 = arith.cmpf ogt, %gather3A_502, %gather3A_498 : vector<16xf32>
    %sub3A_506 = arith.subi %broadcast_in_dim3A_9, %get3A_504 : vector<16xi32>
    %select_n3A_507 = arith.select %gt3A_505, %sub3A_506, %broadcast_in_dim3A_11 : vector<16xi1>, vector<16xi32>
    %add3A_508 = arith.addi %add3A_490, %select_n3A_507 : vector<16xi32>
    %add3A_509 = arith.addi %add3A_491, %get3A_504 : vector<16xi32>
    %mul3A_510 = arith.constant 2 : i32
    %mul3A_511 = vector.broadcast %mul3A_510 : i32 to vector<16xi32>
    %mul3A_512 = arith.muli %mul3A_511, %iota3A : vector<16xi32>
    %add3A_513 = arith.constant 896 : i32
    %add3A_514 = vector.broadcast %add3A_513 : i32 to vector<16xi32>
    %add3A_515 = arith.addi %add3A_514, %mul3A_512 : vector<16xi32>
    %gather3A_516 = tpu.vector_load_idx %arg5[%add3A_515] : memref<2048xf32, #tpu.memory_space<vmem>>[vector<16xi32>], vector<16xf32>,
    %add3A_517 = arith.constant 1 : i32
    %add3A_518 = vector.broadcast %add3A_517 : i32 to vector<16xi32>
    %add3A_519 = arith.addi %add3A_515, %add3A_518 : vector<16xi32>
    %gather3A_520 = tpu.vector_load_idx %arg5[%add3A_519] : memref<2048xf32, #tpu.memory_space<vmem>>[vector<16xi32>], vector<16xf32>,
    %get3A_521 = arith.constant 448 : index
    %get3A_522 = tpu.vector_load %arg6[%get3A_521] {strides = array<i32>} : memref<1024xi32, #tpu.memory_space<vmem>>, vector<16xi32>,
    %gt3A_523 = arith.cmpf ogt, %gather3A_520, %gather3A_516 : vector<16xf32>
    %sub3A_524 = arith.subi %broadcast_in_dim3A_9, %get3A_522 : vector<16xi32>
    %select_n3A_525 = arith.select %gt3A_523, %sub3A_524, %broadcast_in_dim3A_11 : vector<16xi1>, vector<16xi32>
    %add3A_526 = arith.addi %add3A_508, %select_n3A_525 : vector<16xi32>
    %add3A_527 = arith.addi %add3A_509, %get3A_522 : vector<16xi32>
    %mul3A_528 = arith.constant 2 : i32
    %mul3A_529 = vector.broadcast %mul3A_528 : i32 to vector<16xi32>
    %mul3A_530 = arith.muli %mul3A_529, %iota3A : vector<16xi32>
    %add3A_531 = arith.constant 928 : i32
    %add3A_532 = vector.broadcast %add3A_531 : i32 to vector<16xi32>
    %add3A_533 = arith.addi %add3A_532, %mul3A_530 : vector<16xi32>
    %gather3A_534 = tpu.vector_load_idx %arg5[%add3A_533] : memref<2048xf32, #tpu.memory_space<vmem>>[vector<16xi32>], vector<16xf32>,
    %add3A_535 = arith.constant 1 : i32
    %add3A_536 = vector.broadcast %add3A_535 : i32 to vector<16xi32>
    %add3A_537 = arith.addi %add3A_533, %add3A_536 : vector<16xi32>
    %gather3A_538 = tpu.vector_load_idx %arg5[%add3A_537] : memref<2048xf32, #tpu.memory_space<vmem>>[vector<16xi32>], vector<16xf32>,
    %get3A_539 = arith.constant 464 : index
    %get3A_540 = tpu.vector_load %arg6[%get3A_539] {strides = array<i32>} : memref<1024xi32, #tpu.memory_space<vmem>>, vector<16xi32>,
    %gt3A_541 = arith.cmpf ogt, %gather3A_538, %gather3A_534 : vector<16xf32>
    %sub3A_542 = arith.subi %broadcast_in_dim3A_9, %get3A_540 : vector<16xi32>
    %select_n3A_543 = arith.select %gt3A_541, %sub3A_542, %broadcast_in_dim3A_11 : vector<16xi1>, vector<16xi32>
    %add3A_544 = arith.addi %add3A_526, %select_n3A_543 : vector<16xi32>
    %add3A_545 = arith.addi %add3A_527, %get3A_540 : vector<16xi32>
    %mul3A_546 = arith.constant 2 : i32
    %mul3A_547 = vector.broadcast %mul3A_546 : i32 to vector<16xi32>
    %mul3A_548 = arith.muli %mul3A_547, %iota3A : vector<16xi32>
    %add3A_549 = arith.constant 960 : i32
    %add3A_550 = vector.broadcast %add3A_549 : i32 to vector<16xi32>
    %add3A_551 = arith.addi %add3A_550, %mul3A_548 : vector<16xi32>
    %gather3A_552 = tpu.vector_load_idx %arg5[%add3A_551] : memref<2048xf32, #tpu.memory_space<vmem>>[vector<16xi32>], vector<16xf32>,
    %add3A_553 = arith.constant 1 : i32
    %add3A_554 = vector.broadcast %add3A_553 : i32 to vector<16xi32>
    %add3A_555 = arith.addi %add3A_551, %add3A_554 : vector<16xi32>
    %gather3A_556 = tpu.vector_load_idx %arg5[%add3A_555] : memref<2048xf32, #tpu.memory_space<vmem>>[vector<16xi32>], vector<16xf32>,
    %get3A_557 = arith.constant 480 : index
    %get3A_558 = tpu.vector_load %arg6[%get3A_557] {strides = array<i32>} : memref<1024xi32, #tpu.memory_space<vmem>>, vector<16xi32>,
    %gt3A_559 = arith.cmpf ogt, %gather3A_556, %gather3A_552 : vector<16xf32>
    %sub3A_560 = arith.subi %broadcast_in_dim3A_9, %get3A_558 : vector<16xi32>
    %select_n3A_561 = arith.select %gt3A_559, %sub3A_560, %broadcast_in_dim3A_11 : vector<16xi1>, vector<16xi32>
    %add3A_562 = arith.addi %add3A_544, %select_n3A_561 : vector<16xi32>
    %add3A_563 = arith.addi %add3A_545, %get3A_558 : vector<16xi32>
    %mul3A_564 = arith.constant 2 : i32
    %mul3A_565 = vector.broadcast %mul3A_564 : i32 to vector<16xi32>
    %mul3A_566 = arith.muli %mul3A_565, %iota3A : vector<16xi32>
    %add3A_567 = arith.constant 992 : i32
    %add3A_568 = vector.broadcast %add3A_567 : i32 to vector<16xi32>
    %add3A_569 = arith.addi %add3A_568, %mul3A_566 : vector<16xi32>
    %gather3A_570 = tpu.vector_load_idx %arg5[%add3A_569] : memref<2048xf32, #tpu.memory_space<vmem>>[vector<16xi32>], vector<16xf32>,
    %add3A_571 = arith.constant 1 : i32
    %add3A_572 = vector.broadcast %add3A_571 : i32 to vector<16xi32>
    %add3A_573 = arith.addi %add3A_569, %add3A_572 : vector<16xi32>
    %gather3A_574 = tpu.vector_load_idx %arg5[%add3A_573] : memref<2048xf32, #tpu.memory_space<vmem>>[vector<16xi32>], vector<16xf32>,
    %get3A_575 = arith.constant 496 : index
    %get3A_576 = tpu.vector_load %arg6[%get3A_575] {strides = array<i32>} : memref<1024xi32, #tpu.memory_space<vmem>>, vector<16xi32>,
    %gt3A_577 = arith.cmpf ogt, %gather3A_574, %gather3A_570 : vector<16xf32>
    %sub3A_578 = arith.subi %broadcast_in_dim3A_9, %get3A_576 : vector<16xi32>
    %select_n3A_579 = arith.select %gt3A_577, %sub3A_578, %broadcast_in_dim3A_11 : vector<16xi1>, vector<16xi32>
    %add3A_580 = arith.addi %add3A_562, %select_n3A_579 : vector<16xi32>
    %add3A_581 = arith.addi %add3A_563, %get3A_576 : vector<16xi32>
    %mul3A_582 = arith.constant 2 : i32
    %mul3A_583 = vector.broadcast %mul3A_582 : i32 to vector<16xi32>
    %mul3A_584 = arith.muli %mul3A_583, %iota3A : vector<16xi32>
    %add3A_585 = arith.constant 1024 : i32
    %add3A_586 = vector.broadcast %add3A_585 : i32 to vector<16xi32>
    %add3A_587 = arith.addi %add3A_586, %mul3A_584 : vector<16xi32>
    %gather3A_588 = tpu.vector_load_idx %arg5[%add3A_587] : memref<2048xf32, #tpu.memory_space<vmem>>[vector<16xi32>], vector<16xf32>,
    %add3A_589 = arith.constant 1 : i32
    %add3A_590 = vector.broadcast %add3A_589 : i32 to vector<16xi32>
    %add3A_591 = arith.addi %add3A_587, %add3A_590 : vector<16xi32>
    %gather3A_592 = tpu.vector_load_idx %arg5[%add3A_591] : memref<2048xf32, #tpu.memory_space<vmem>>[vector<16xi32>], vector<16xf32>,
    %get3A_593 = arith.constant 512 : index
    %get3A_594 = tpu.vector_load %arg6[%get3A_593] {strides = array<i32>} : memref<1024xi32, #tpu.memory_space<vmem>>, vector<16xi32>,
    %gt3A_595 = arith.cmpf ogt, %gather3A_592, %gather3A_588 : vector<16xf32>
    %sub3A_596 = arith.subi %broadcast_in_dim3A_9, %get3A_594 : vector<16xi32>
    %select_n3A_597 = arith.select %gt3A_595, %sub3A_596, %broadcast_in_dim3A_11 : vector<16xi1>, vector<16xi32>
    %add3A_598 = arith.addi %add3A_580, %select_n3A_597 : vector<16xi32>
    %add3A_599 = arith.addi %add3A_581, %get3A_594 : vector<16xi32>
    %mul3A_600 = arith.constant 2 : i32
    %mul3A_601 = vector.broadcast %mul3A_600 : i32 to vector<16xi32>
    %mul3A_602 = arith.muli %mul3A_601, %iota3A : vector<16xi32>
    %add3A_603 = arith.constant 1056 : i32
    %add3A_604 = vector.broadcast %add3A_603 : i32 to vector<16xi32>
    %add3A_605 = arith.addi %add3A_604, %mul3A_602 : vector<16xi32>
    %gather3A_606 = tpu.vector_load_idx %arg5[%add3A_605] : memref<2048xf32, #tpu.memory_space<vmem>>[vector<16xi32>], vector<16xf32>,
    %add3A_607 = arith.constant 1 : i32
    %add3A_608 = vector.broadcast %add3A_607 : i32 to vector<16xi32>
    %add3A_609 = arith.addi %add3A_605, %add3A_608 : vector<16xi32>
    %gather3A_610 = tpu.vector_load_idx %arg5[%add3A_609] : memref<2048xf32, #tpu.memory_space<vmem>>[vector<16xi32>], vector<16xf32>,
    %get3A_611 = arith.constant 528 : index
    %get3A_612 = tpu.vector_load %arg6[%get3A_611] {strides = array<i32>} : memref<1024xi32, #tpu.memory_space<vmem>>, vector<16xi32>,
    %gt3A_613 = arith.cmpf ogt, %gather3A_610, %gather3A_606 : vector<16xf32>
    %sub3A_614 = arith.subi %broadcast_in_dim3A_9, %get3A_612 : vector<16xi32>
    %select_n3A_615 = arith.select %gt3A_613, %sub3A_614, %broadcast_in_dim3A_11 : vector<16xi1>, vector<16xi32>
    %add3A_616 = arith.addi %add3A_598, %select_n3A_615 : vector<16xi32>
    %add3A_617 = arith.addi %add3A_599, %get3A_612 : vector<16xi32>
    %mul3A_618 = arith.constant 2 : i32
    %mul3A_619 = vector.broadcast %mul3A_618 : i32 to vector<16xi32>
    %mul3A_620 = arith.muli %mul3A_619, %iota3A : vector<16xi32>
    %add3A_621 = arith.constant 1088 : i32
    %add3A_622 = vector.broadcast %add3A_621 : i32 to vector<16xi32>
    %add3A_623 = arith.addi %add3A_622, %mul3A_620 : vector<16xi32>
    %gather3A_624 = tpu.vector_load_idx %arg5[%add3A_623] : memref<2048xf32, #tpu.memory_space<vmem>>[vector<16xi32>], vector<16xf32>,
    %add3A_625 = arith.constant 1 : i32
    %add3A_626 = vector.broadcast %add3A_625 : i32 to vector<16xi32>
    %add3A_627 = arith.addi %add3A_623, %add3A_626 : vector<16xi32>
    %gather3A_628 = tpu.vector_load_idx %arg5[%add3A_627] : memref<2048xf32, #tpu.memory_space<vmem>>[vector<16xi32>], vector<16xf32>,
    %get3A_629 = arith.constant 544 : index
    %get3A_630 = tpu.vector_load %arg6[%get3A_629] {strides = array<i32>} : memref<1024xi32, #tpu.memory_space<vmem>>, vector<16xi32>,
    %gt3A_631 = arith.cmpf ogt, %gather3A_628, %gather3A_624 : vector<16xf32>
    %sub3A_632 = arith.subi %broadcast_in_dim3A_9, %get3A_630 : vector<16xi32>
    %select_n3A_633 = arith.select %gt3A_631, %sub3A_632, %broadcast_in_dim3A_11 : vector<16xi1>, vector<16xi32>
    %add3A_634 = arith.addi %add3A_616, %select_n3A_633 : vector<16xi32>
    %add3A_635 = arith.addi %add3A_617, %get3A_630 : vector<16xi32>
    %mul3A_636 = arith.constant 2 : i32
    %mul3A_637 = vector.broadcast %mul3A_636 : i32 to vector<16xi32>
    %mul3A_638 = arith.muli %mul3A_637, %iota3A : vector<16xi32>
    %add3A_639 = arith.constant 1120 : i32
    %add3A_640 = vector.broadcast %add3A_639 : i32 to vector<16xi32>
    %add3A_641 = arith.addi %add3A_640, %mul3A_638 : vector<16xi32>
    %gather3A_642 = tpu.vector_load_idx %arg5[%add3A_641] : memref<2048xf32, #tpu.memory_space<vmem>>[vector<16xi32>], vector<16xf32>,
    %add3A_643 = arith.constant 1 : i32
    %add3A_644 = vector.broadcast %add3A_643 : i32 to vector<16xi32>
    %add3A_645 = arith.addi %add3A_641, %add3A_644 : vector<16xi32>
    %gather3A_646 = tpu.vector_load_idx %arg5[%add3A_645] : memref<2048xf32, #tpu.memory_space<vmem>>[vector<16xi32>], vector<16xf32>,
    %get3A_647 = arith.constant 560 : index
    %get3A_648 = tpu.vector_load %arg6[%get3A_647] {strides = array<i32>} : memref<1024xi32, #tpu.memory_space<vmem>>, vector<16xi32>,
    %gt3A_649 = arith.cmpf ogt, %gather3A_646, %gather3A_642 : vector<16xf32>
    %sub3A_650 = arith.subi %broadcast_in_dim3A_9, %get3A_648 : vector<16xi32>
    %select_n3A_651 = arith.select %gt3A_649, %sub3A_650, %broadcast_in_dim3A_11 : vector<16xi1>, vector<16xi32>
    %add3A_652 = arith.addi %add3A_634, %select_n3A_651 : vector<16xi32>
    %add3A_653 = arith.addi %add3A_635, %get3A_648 : vector<16xi32>
    %mul3A_654 = arith.constant 2 : i32
    %mul3A_655 = vector.broadcast %mul3A_654 : i32 to vector<16xi32>
    %mul3A_656 = arith.muli %mul3A_655, %iota3A : vector<16xi32>
    %add3A_657 = arith.constant 1152 : i32
    %add3A_658 = vector.broadcast %add3A_657 : i32 to vector<16xi32>
    %add3A_659 = arith.addi %add3A_658, %mul3A_656 : vector<16xi32>
    %gather3A_660 = tpu.vector_load_idx %arg5[%add3A_659] : memref<2048xf32, #tpu.memory_space<vmem>>[vector<16xi32>], vector<16xf32>,
    %add3A_661 = arith.constant 1 : i32
    %add3A_662 = vector.broadcast %add3A_661 : i32 to vector<16xi32>
    %add3A_663 = arith.addi %add3A_659, %add3A_662 : vector<16xi32>
    %gather3A_664 = tpu.vector_load_idx %arg5[%add3A_663] : memref<2048xf32, #tpu.memory_space<vmem>>[vector<16xi32>], vector<16xf32>,
    %get3A_665 = arith.constant 576 : index
    %get3A_666 = tpu.vector_load %arg6[%get3A_665] {strides = array<i32>} : memref<1024xi32, #tpu.memory_space<vmem>>, vector<16xi32>,
    %gt3A_667 = arith.cmpf ogt, %gather3A_664, %gather3A_660 : vector<16xf32>
    %sub3A_668 = arith.subi %broadcast_in_dim3A_9, %get3A_666 : vector<16xi32>
    %select_n3A_669 = arith.select %gt3A_667, %sub3A_668, %broadcast_in_dim3A_11 : vector<16xi1>, vector<16xi32>
    %add3A_670 = arith.addi %add3A_652, %select_n3A_669 : vector<16xi32>
    %add3A_671 = arith.addi %add3A_653, %get3A_666 : vector<16xi32>
    %mul3A_672 = arith.constant 2 : i32
    %mul3A_673 = vector.broadcast %mul3A_672 : i32 to vector<16xi32>
    %mul3A_674 = arith.muli %mul3A_673, %iota3A : vector<16xi32>
    %add3A_675 = arith.constant 1184 : i32
    %add3A_676 = vector.broadcast %add3A_675 : i32 to vector<16xi32>
    %add3A_677 = arith.addi %add3A_676, %mul3A_674 : vector<16xi32>
    %gather3A_678 = tpu.vector_load_idx %arg5[%add3A_677] : memref<2048xf32, #tpu.memory_space<vmem>>[vector<16xi32>], vector<16xf32>,
    %add3A_679 = arith.constant 1 : i32
    %add3A_680 = vector.broadcast %add3A_679 : i32 to vector<16xi32>
    %add3A_681 = arith.addi %add3A_677, %add3A_680 : vector<16xi32>
    %gather3A_682 = tpu.vector_load_idx %arg5[%add3A_681] : memref<2048xf32, #tpu.memory_space<vmem>>[vector<16xi32>], vector<16xf32>,
    %get3A_683 = arith.constant 592 : index
    %get3A_684 = tpu.vector_load %arg6[%get3A_683] {strides = array<i32>} : memref<1024xi32, #tpu.memory_space<vmem>>, vector<16xi32>,
    %gt3A_685 = arith.cmpf ogt, %gather3A_682, %gather3A_678 : vector<16xf32>
    %sub3A_686 = arith.subi %broadcast_in_dim3A_9, %get3A_684 : vector<16xi32>
    %select_n3A_687 = arith.select %gt3A_685, %sub3A_686, %broadcast_in_dim3A_11 : vector<16xi1>, vector<16xi32>
    %add3A_688 = arith.addi %add3A_670, %select_n3A_687 : vector<16xi32>
    %add3A_689 = arith.addi %add3A_671, %get3A_684 : vector<16xi32>
    %mul3A_690 = arith.constant 2 : i32
    %mul3A_691 = vector.broadcast %mul3A_690 : i32 to vector<16xi32>
    %mul3A_692 = arith.muli %mul3A_691, %iota3A : vector<16xi32>
    %add3A_693 = arith.constant 1216 : i32
    %add3A_694 = vector.broadcast %add3A_693 : i32 to vector<16xi32>
    %add3A_695 = arith.addi %add3A_694, %mul3A_692 : vector<16xi32>
    %gather3A_696 = tpu.vector_load_idx %arg5[%add3A_695] : memref<2048xf32, #tpu.memory_space<vmem>>[vector<16xi32>], vector<16xf32>,
    %add3A_697 = arith.constant 1 : i32
    %add3A_698 = vector.broadcast %add3A_697 : i32 to vector<16xi32>
    %add3A_699 = arith.addi %add3A_695, %add3A_698 : vector<16xi32>
    %gather3A_700 = tpu.vector_load_idx %arg5[%add3A_699] : memref<2048xf32, #tpu.memory_space<vmem>>[vector<16xi32>], vector<16xf32>,
    %get3A_701 = arith.constant 608 : index
    %get3A_702 = tpu.vector_load %arg6[%get3A_701] {strides = array<i32>} : memref<1024xi32, #tpu.memory_space<vmem>>, vector<16xi32>,
    %gt3A_703 = arith.cmpf ogt, %gather3A_700, %gather3A_696 : vector<16xf32>
    %sub3A_704 = arith.subi %broadcast_in_dim3A_9, %get3A_702 : vector<16xi32>
    %select_n3A_705 = arith.select %gt3A_703, %sub3A_704, %broadcast_in_dim3A_11 : vector<16xi1>, vector<16xi32>
    %add3A_706 = arith.addi %add3A_688, %select_n3A_705 : vector<16xi32>
    %add3A_707 = arith.addi %add3A_689, %get3A_702 : vector<16xi32>
    %mul3A_708 = arith.constant 2 : i32
    %mul3A_709 = vector.broadcast %mul3A_708 : i32 to vector<16xi32>
    %mul3A_710 = arith.muli %mul3A_709, %iota3A : vector<16xi32>
    %add3A_711 = arith.constant 1248 : i32
    %add3A_712 = vector.broadcast %add3A_711 : i32 to vector<16xi32>
    %add3A_713 = arith.addi %add3A_712, %mul3A_710 : vector<16xi32>
    %gather3A_714 = tpu.vector_load_idx %arg5[%add3A_713] : memref<2048xf32, #tpu.memory_space<vmem>>[vector<16xi32>], vector<16xf32>,
    %add3A_715 = arith.constant 1 : i32
    %add3A_716 = vector.broadcast %add3A_715 : i32 to vector<16xi32>
    %add3A_717 = arith.addi %add3A_713, %add3A_716 : vector<16xi32>
    %gather3A_718 = tpu.vector_load_idx %arg5[%add3A_717] : memref<2048xf32, #tpu.memory_space<vmem>>[vector<16xi32>], vector<16xf32>,
    %get3A_719 = arith.constant 624 : index
    %get3A_720 = tpu.vector_load %arg6[%get3A_719] {strides = array<i32>} : memref<1024xi32, #tpu.memory_space<vmem>>, vector<16xi32>,
    %gt3A_721 = arith.cmpf ogt, %gather3A_718, %gather3A_714 : vector<16xf32>
    %sub3A_722 = arith.subi %broadcast_in_dim3A_9, %get3A_720 : vector<16xi32>
    %select_n3A_723 = arith.select %gt3A_721, %sub3A_722, %broadcast_in_dim3A_11 : vector<16xi1>, vector<16xi32>
    %add3A_724 = arith.addi %add3A_706, %select_n3A_723 : vector<16xi32>
    %add3A_725 = arith.addi %add3A_707, %get3A_720 : vector<16xi32>
    %mul3A_726 = arith.constant 2 : i32
    %mul3A_727 = vector.broadcast %mul3A_726 : i32 to vector<16xi32>
    %mul3A_728 = arith.muli %mul3A_727, %iota3A : vector<16xi32>
    %add3A_729 = arith.constant 1280 : i32
    %add3A_730 = vector.broadcast %add3A_729 : i32 to vector<16xi32>
    %add3A_731 = arith.addi %add3A_730, %mul3A_728 : vector<16xi32>
    %gather3A_732 = tpu.vector_load_idx %arg5[%add3A_731] : memref<2048xf32, #tpu.memory_space<vmem>>[vector<16xi32>], vector<16xf32>,
    %add3A_733 = arith.constant 1 : i32
    %add3A_734 = vector.broadcast %add3A_733 : i32 to vector<16xi32>
    %add3A_735 = arith.addi %add3A_731, %add3A_734 : vector<16xi32>
    %gather3A_736 = tpu.vector_load_idx %arg5[%add3A_735] : memref<2048xf32, #tpu.memory_space<vmem>>[vector<16xi32>], vector<16xf32>,
    %get3A_737 = arith.constant 640 : index
    %get3A_738 = tpu.vector_load %arg6[%get3A_737] {strides = array<i32>} : memref<1024xi32, #tpu.memory_space<vmem>>, vector<16xi32>,
    %gt3A_739 = arith.cmpf ogt, %gather3A_736, %gather3A_732 : vector<16xf32>
    %sub3A_740 = arith.subi %broadcast_in_dim3A_9, %get3A_738 : vector<16xi32>
    %select_n3A_741 = arith.select %gt3A_739, %sub3A_740, %broadcast_in_dim3A_11 : vector<16xi1>, vector<16xi32>
    %add3A_742 = arith.addi %add3A_724, %select_n3A_741 : vector<16xi32>
    %add3A_743 = arith.addi %add3A_725, %get3A_738 : vector<16xi32>
    %mul3A_744 = arith.constant 2 : i32
    %mul3A_745 = vector.broadcast %mul3A_744 : i32 to vector<16xi32>
    %mul3A_746 = arith.muli %mul3A_745, %iota3A : vector<16xi32>
    %add3A_747 = arith.constant 1312 : i32
    %add3A_748 = vector.broadcast %add3A_747 : i32 to vector<16xi32>
    %add3A_749 = arith.addi %add3A_748, %mul3A_746 : vector<16xi32>
    %gather3A_750 = tpu.vector_load_idx %arg5[%add3A_749] : memref<2048xf32, #tpu.memory_space<vmem>>[vector<16xi32>], vector<16xf32>,
    %add3A_751 = arith.constant 1 : i32
    %add3A_752 = vector.broadcast %add3A_751 : i32 to vector<16xi32>
    %add3A_753 = arith.addi %add3A_749, %add3A_752 : vector<16xi32>
    %gather3A_754 = tpu.vector_load_idx %arg5[%add3A_753] : memref<2048xf32, #tpu.memory_space<vmem>>[vector<16xi32>], vector<16xf32>,
    %get3A_755 = arith.constant 656 : index
    %get3A_756 = tpu.vector_load %arg6[%get3A_755] {strides = array<i32>} : memref<1024xi32, #tpu.memory_space<vmem>>, vector<16xi32>,
    %gt3A_757 = arith.cmpf ogt, %gather3A_754, %gather3A_750 : vector<16xf32>
    %sub3A_758 = arith.subi %broadcast_in_dim3A_9, %get3A_756 : vector<16xi32>
    %select_n3A_759 = arith.select %gt3A_757, %sub3A_758, %broadcast_in_dim3A_11 : vector<16xi1>, vector<16xi32>
    %add3A_760 = arith.addi %add3A_742, %select_n3A_759 : vector<16xi32>
    %add3A_761 = arith.addi %add3A_743, %get3A_756 : vector<16xi32>
    %mul3A_762 = arith.constant 2 : i32
    %mul3A_763 = vector.broadcast %mul3A_762 : i32 to vector<16xi32>
    %mul3A_764 = arith.muli %mul3A_763, %iota3A : vector<16xi32>
    %add3A_765 = arith.constant 1344 : i32
    %add3A_766 = vector.broadcast %add3A_765 : i32 to vector<16xi32>
    %add3A_767 = arith.addi %add3A_766, %mul3A_764 : vector<16xi32>
    %gather3A_768 = tpu.vector_load_idx %arg5[%add3A_767] : memref<2048xf32, #tpu.memory_space<vmem>>[vector<16xi32>], vector<16xf32>,
    %add3A_769 = arith.constant 1 : i32
    %add3A_770 = vector.broadcast %add3A_769 : i32 to vector<16xi32>
    %add3A_771 = arith.addi %add3A_767, %add3A_770 : vector<16xi32>
    %gather3A_772 = tpu.vector_load_idx %arg5[%add3A_771] : memref<2048xf32, #tpu.memory_space<vmem>>[vector<16xi32>], vector<16xf32>,
    %get3A_773 = arith.constant 672 : index
    %get3A_774 = tpu.vector_load %arg6[%get3A_773] {strides = array<i32>} : memref<1024xi32, #tpu.memory_space<vmem>>, vector<16xi32>,
    %gt3A_775 = arith.cmpf ogt, %gather3A_772, %gather3A_768 : vector<16xf32>
    %sub3A_776 = arith.subi %broadcast_in_dim3A_9, %get3A_774 : vector<16xi32>
    %select_n3A_777 = arith.select %gt3A_775, %sub3A_776, %broadcast_in_dim3A_11 : vector<16xi1>, vector<16xi32>
    %add3A_778 = arith.addi %add3A_760, %select_n3A_777 : vector<16xi32>
    %add3A_779 = arith.addi %add3A_761, %get3A_774 : vector<16xi32>
    %mul3A_780 = arith.constant 2 : i32
    %mul3A_781 = vector.broadcast %mul3A_780 : i32 to vector<16xi32>
    %mul3A_782 = arith.muli %mul3A_781, %iota3A : vector<16xi32>
    %add3A_783 = arith.constant 1376 : i32
    %add3A_784 = vector.broadcast %add3A_783 : i32 to vector<16xi32>
    %add3A_785 = arith.addi %add3A_784, %mul3A_782 : vector<16xi32>
    %gather3A_786 = tpu.vector_load_idx %arg5[%add3A_785] : memref<2048xf32, #tpu.memory_space<vmem>>[vector<16xi32>], vector<16xf32>,
    %add3A_787 = arith.constant 1 : i32
    %add3A_788 = vector.broadcast %add3A_787 : i32 to vector<16xi32>
    %add3A_789 = arith.addi %add3A_785, %add3A_788 : vector<16xi32>
    %gather3A_790 = tpu.vector_load_idx %arg5[%add3A_789] : memref<2048xf32, #tpu.memory_space<vmem>>[vector<16xi32>], vector<16xf32>,
    %get3A_791 = arith.constant 688 : index
    %get3A_792 = tpu.vector_load %arg6[%get3A_791] {strides = array<i32>} : memref<1024xi32, #tpu.memory_space<vmem>>, vector<16xi32>,
    %gt3A_793 = arith.cmpf ogt, %gather3A_790, %gather3A_786 : vector<16xf32>
    %sub3A_794 = arith.subi %broadcast_in_dim3A_9, %get3A_792 : vector<16xi32>
    %select_n3A_795 = arith.select %gt3A_793, %sub3A_794, %broadcast_in_dim3A_11 : vector<16xi1>, vector<16xi32>
    %add3A_796 = arith.addi %add3A_778, %select_n3A_795 : vector<16xi32>
    %add3A_797 = arith.addi %add3A_779, %get3A_792 : vector<16xi32>
    %mul3A_798 = arith.constant 2 : i32
    %mul3A_799 = vector.broadcast %mul3A_798 : i32 to vector<16xi32>
    %mul3A_800 = arith.muli %mul3A_799, %iota3A : vector<16xi32>
    %add3A_801 = arith.constant 1408 : i32
    %add3A_802 = vector.broadcast %add3A_801 : i32 to vector<16xi32>
    %add3A_803 = arith.addi %add3A_802, %mul3A_800 : vector<16xi32>
    %gather3A_804 = tpu.vector_load_idx %arg5[%add3A_803] : memref<2048xf32, #tpu.memory_space<vmem>>[vector<16xi32>], vector<16xf32>,
    %add3A_805 = arith.constant 1 : i32
    %add3A_806 = vector.broadcast %add3A_805 : i32 to vector<16xi32>
    %add3A_807 = arith.addi %add3A_803, %add3A_806 : vector<16xi32>
    %gather3A_808 = tpu.vector_load_idx %arg5[%add3A_807] : memref<2048xf32, #tpu.memory_space<vmem>>[vector<16xi32>], vector<16xf32>,
    %get3A_809 = arith.constant 704 : index
    %get3A_810 = tpu.vector_load %arg6[%get3A_809] {strides = array<i32>} : memref<1024xi32, #tpu.memory_space<vmem>>, vector<16xi32>,
    %gt3A_811 = arith.cmpf ogt, %gather3A_808, %gather3A_804 : vector<16xf32>
    %sub3A_812 = arith.subi %broadcast_in_dim3A_9, %get3A_810 : vector<16xi32>
    %select_n3A_813 = arith.select %gt3A_811, %sub3A_812, %broadcast_in_dim3A_11 : vector<16xi1>, vector<16xi32>
    %add3A_814 = arith.addi %add3A_796, %select_n3A_813 : vector<16xi32>
    %add3A_815 = arith.addi %add3A_797, %get3A_810 : vector<16xi32>
    %mul3A_816 = arith.constant 2 : i32
    %mul3A_817 = vector.broadcast %mul3A_816 : i32 to vector<16xi32>
    %mul3A_818 = arith.muli %mul3A_817, %iota3A : vector<16xi32>
    %add3A_819 = arith.constant 1440 : i32
    %add3A_820 = vector.broadcast %add3A_819 : i32 to vector<16xi32>
    %add3A_821 = arith.addi %add3A_820, %mul3A_818 : vector<16xi32>
    %gather3A_822 = tpu.vector_load_idx %arg5[%add3A_821] : memref<2048xf32, #tpu.memory_space<vmem>>[vector<16xi32>], vector<16xf32>,
    %add3A_823 = arith.constant 1 : i32
    %add3A_824 = vector.broadcast %add3A_823 : i32 to vector<16xi32>
    %add3A_825 = arith.addi %add3A_821, %add3A_824 : vector<16xi32>
    %gather3A_826 = tpu.vector_load_idx %arg5[%add3A_825] : memref<2048xf32, #tpu.memory_space<vmem>>[vector<16xi32>], vector<16xf32>,
    %get3A_827 = arith.constant 720 : index
    %get3A_828 = tpu.vector_load %arg6[%get3A_827] {strides = array<i32>} : memref<1024xi32, #tpu.memory_space<vmem>>, vector<16xi32>,
    %gt3A_829 = arith.cmpf ogt, %gather3A_826, %gather3A_822 : vector<16xf32>
    %sub3A_830 = arith.subi %broadcast_in_dim3A_9, %get3A_828 : vector<16xi32>
    %select_n3A_831 = arith.select %gt3A_829, %sub3A_830, %broadcast_in_dim3A_11 : vector<16xi1>, vector<16xi32>
    %add3A_832 = arith.addi %add3A_814, %select_n3A_831 : vector<16xi32>
    %add3A_833 = arith.addi %add3A_815, %get3A_828 : vector<16xi32>
    %mul3A_834 = arith.constant 2 : i32
    %mul3A_835 = vector.broadcast %mul3A_834 : i32 to vector<16xi32>
    %mul3A_836 = arith.muli %mul3A_835, %iota3A : vector<16xi32>
    %add3A_837 = arith.constant 1472 : i32
    %add3A_838 = vector.broadcast %add3A_837 : i32 to vector<16xi32>
    %add3A_839 = arith.addi %add3A_838, %mul3A_836 : vector<16xi32>
    %gather3A_840 = tpu.vector_load_idx %arg5[%add3A_839] : memref<2048xf32, #tpu.memory_space<vmem>>[vector<16xi32>], vector<16xf32>,
    %add3A_841 = arith.constant 1 : i32
    %add3A_842 = vector.broadcast %add3A_841 : i32 to vector<16xi32>
    %add3A_843 = arith.addi %add3A_839, %add3A_842 : vector<16xi32>
    %gather3A_844 = tpu.vector_load_idx %arg5[%add3A_843] : memref<2048xf32, #tpu.memory_space<vmem>>[vector<16xi32>], vector<16xf32>,
    %get3A_845 = arith.constant 736 : index
    %get3A_846 = tpu.vector_load %arg6[%get3A_845] {strides = array<i32>} : memref<1024xi32, #tpu.memory_space<vmem>>, vector<16xi32>,
    %gt3A_847 = arith.cmpf ogt, %gather3A_844, %gather3A_840 : vector<16xf32>
    %sub3A_848 = arith.subi %broadcast_in_dim3A_9, %get3A_846 : vector<16xi32>
    %select_n3A_849 = arith.select %gt3A_847, %sub3A_848, %broadcast_in_dim3A_11 : vector<16xi1>, vector<16xi32>
    %add3A_850 = arith.addi %add3A_832, %select_n3A_849 : vector<16xi32>
    %add3A_851 = arith.addi %add3A_833, %get3A_846 : vector<16xi32>
    %mul3A_852 = arith.constant 2 : i32
    %mul3A_853 = vector.broadcast %mul3A_852 : i32 to vector<16xi32>
    %mul3A_854 = arith.muli %mul3A_853, %iota3A : vector<16xi32>
    %add3A_855 = arith.constant 1504 : i32
    %add3A_856 = vector.broadcast %add3A_855 : i32 to vector<16xi32>
    %add3A_857 = arith.addi %add3A_856, %mul3A_854 : vector<16xi32>
    %gather3A_858 = tpu.vector_load_idx %arg5[%add3A_857] : memref<2048xf32, #tpu.memory_space<vmem>>[vector<16xi32>], vector<16xf32>,
    %add3A_859 = arith.constant 1 : i32
    %add3A_860 = vector.broadcast %add3A_859 : i32 to vector<16xi32>
    %add3A_861 = arith.addi %add3A_857, %add3A_860 : vector<16xi32>
    %gather3A_862 = tpu.vector_load_idx %arg5[%add3A_861] : memref<2048xf32, #tpu.memory_space<vmem>>[vector<16xi32>], vector<16xf32>,
    %get3A_863 = arith.constant 752 : index
    %get3A_864 = tpu.vector_load %arg6[%get3A_863] {strides = array<i32>} : memref<1024xi32, #tpu.memory_space<vmem>>, vector<16xi32>,
    %gt3A_865 = arith.cmpf ogt, %gather3A_862, %gather3A_858 : vector<16xf32>
    %sub3A_866 = arith.subi %broadcast_in_dim3A_9, %get3A_864 : vector<16xi32>
    %select_n3A_867 = arith.select %gt3A_865, %sub3A_866, %broadcast_in_dim3A_11 : vector<16xi1>, vector<16xi32>
    %add3A_868 = arith.addi %add3A_850, %select_n3A_867 : vector<16xi32>
    %add3A_869 = arith.addi %add3A_851, %get3A_864 : vector<16xi32>
    %mul3A_870 = arith.constant 2 : i32
    %mul3A_871 = vector.broadcast %mul3A_870 : i32 to vector<16xi32>
    %mul3A_872 = arith.muli %mul3A_871, %iota3A : vector<16xi32>
    %add3A_873 = arith.constant 1536 : i32
    %add3A_874 = vector.broadcast %add3A_873 : i32 to vector<16xi32>
    %add3A_875 = arith.addi %add3A_874, %mul3A_872 : vector<16xi32>
    %gather3A_876 = tpu.vector_load_idx %arg5[%add3A_875] : memref<2048xf32, #tpu.memory_space<vmem>>[vector<16xi32>], vector<16xf32>,
    %add3A_877 = arith.constant 1 : i32
    %add3A_878 = vector.broadcast %add3A_877 : i32 to vector<16xi32>
    %add3A_879 = arith.addi %add3A_875, %add3A_878 : vector<16xi32>
    %gather3A_880 = tpu.vector_load_idx %arg5[%add3A_879] : memref<2048xf32, #tpu.memory_space<vmem>>[vector<16xi32>], vector<16xf32>,
    %get3A_881 = arith.constant 768 : index
    %get3A_882 = tpu.vector_load %arg6[%get3A_881] {strides = array<i32>} : memref<1024xi32, #tpu.memory_space<vmem>>, vector<16xi32>,
    %gt3A_883 = arith.cmpf ogt, %gather3A_880, %gather3A_876 : vector<16xf32>
    %sub3A_884 = arith.subi %broadcast_in_dim3A_9, %get3A_882 : vector<16xi32>
    %select_n3A_885 = arith.select %gt3A_883, %sub3A_884, %broadcast_in_dim3A_11 : vector<16xi1>, vector<16xi32>
    %add3A_886 = arith.addi %add3A_868, %select_n3A_885 : vector<16xi32>
    %add3A_887 = arith.addi %add3A_869, %get3A_882 : vector<16xi32>
    %mul3A_888 = arith.constant 2 : i32
    %mul3A_889 = vector.broadcast %mul3A_888 : i32 to vector<16xi32>
    %mul3A_890 = arith.muli %mul3A_889, %iota3A : vector<16xi32>
    %add3A_891 = arith.constant 1568 : i32
    %add3A_892 = vector.broadcast %add3A_891 : i32 to vector<16xi32>
    %add3A_893 = arith.addi %add3A_892, %mul3A_890 : vector<16xi32>
    %gather3A_894 = tpu.vector_load_idx %arg5[%add3A_893] : memref<2048xf32, #tpu.memory_space<vmem>>[vector<16xi32>], vector<16xf32>,
    %add3A_895 = arith.constant 1 : i32
    %add3A_896 = vector.broadcast %add3A_895 : i32 to vector<16xi32>
    %add3A_897 = arith.addi %add3A_893, %add3A_896 : vector<16xi32>
    %gather3A_898 = tpu.vector_load_idx %arg5[%add3A_897] : memref<2048xf32, #tpu.memory_space<vmem>>[vector<16xi32>], vector<16xf32>,
    %get3A_899 = arith.constant 784 : index
    %get3A_900 = tpu.vector_load %arg6[%get3A_899] {strides = array<i32>} : memref<1024xi32, #tpu.memory_space<vmem>>, vector<16xi32>,
    %gt3A_901 = arith.cmpf ogt, %gather3A_898, %gather3A_894 : vector<16xf32>
    %sub3A_902 = arith.subi %broadcast_in_dim3A_9, %get3A_900 : vector<16xi32>
    %select_n3A_903 = arith.select %gt3A_901, %sub3A_902, %broadcast_in_dim3A_11 : vector<16xi1>, vector<16xi32>
    %add3A_904 = arith.addi %add3A_886, %select_n3A_903 : vector<16xi32>
    %add3A_905 = arith.addi %add3A_887, %get3A_900 : vector<16xi32>
    %mul3A_906 = arith.constant 2 : i32
    %mul3A_907 = vector.broadcast %mul3A_906 : i32 to vector<16xi32>
    %mul3A_908 = arith.muli %mul3A_907, %iota3A : vector<16xi32>
    %add3A_909 = arith.constant 1600 : i32
    %add3A_910 = vector.broadcast %add3A_909 : i32 to vector<16xi32>
    %add3A_911 = arith.addi %add3A_910, %mul3A_908 : vector<16xi32>
    %gather3A_912 = tpu.vector_load_idx %arg5[%add3A_911] : memref<2048xf32, #tpu.memory_space<vmem>>[vector<16xi32>], vector<16xf32>,
    %add3A_913 = arith.constant 1 : i32
    %add3A_914 = vector.broadcast %add3A_913 : i32 to vector<16xi32>
    %add3A_915 = arith.addi %add3A_911, %add3A_914 : vector<16xi32>
    %gather3A_916 = tpu.vector_load_idx %arg5[%add3A_915] : memref<2048xf32, #tpu.memory_space<vmem>>[vector<16xi32>], vector<16xf32>,
    %get3A_917 = arith.constant 800 : index
    %get3A_918 = tpu.vector_load %arg6[%get3A_917] {strides = array<i32>} : memref<1024xi32, #tpu.memory_space<vmem>>, vector<16xi32>,
    %gt3A_919 = arith.cmpf ogt, %gather3A_916, %gather3A_912 : vector<16xf32>
    %sub3A_920 = arith.subi %broadcast_in_dim3A_9, %get3A_918 : vector<16xi32>
    %select_n3A_921 = arith.select %gt3A_919, %sub3A_920, %broadcast_in_dim3A_11 : vector<16xi1>, vector<16xi32>
    %add3A_922 = arith.addi %add3A_904, %select_n3A_921 : vector<16xi32>
    %add3A_923 = arith.addi %add3A_905, %get3A_918 : vector<16xi32>
    %mul3A_924 = arith.constant 2 : i32
    %mul3A_925 = vector.broadcast %mul3A_924 : i32 to vector<16xi32>
    %mul3A_926 = arith.muli %mul3A_925, %iota3A : vector<16xi32>
    %add3A_927 = arith.constant 1632 : i32
    %add3A_928 = vector.broadcast %add3A_927 : i32 to vector<16xi32>
    %add3A_929 = arith.addi %add3A_928, %mul3A_926 : vector<16xi32>
    %gather3A_930 = tpu.vector_load_idx %arg5[%add3A_929] : memref<2048xf32, #tpu.memory_space<vmem>>[vector<16xi32>], vector<16xf32>,
    %add3A_931 = arith.constant 1 : i32
    %add3A_932 = vector.broadcast %add3A_931 : i32 to vector<16xi32>
    %add3A_933 = arith.addi %add3A_929, %add3A_932 : vector<16xi32>
    %gather3A_934 = tpu.vector_load_idx %arg5[%add3A_933] : memref<2048xf32, #tpu.memory_space<vmem>>[vector<16xi32>], vector<16xf32>,
    %get3A_935 = arith.constant 816 : index
    %get3A_936 = tpu.vector_load %arg6[%get3A_935] {strides = array<i32>} : memref<1024xi32, #tpu.memory_space<vmem>>, vector<16xi32>,
    %gt3A_937 = arith.cmpf ogt, %gather3A_934, %gather3A_930 : vector<16xf32>
    %sub3A_938 = arith.subi %broadcast_in_dim3A_9, %get3A_936 : vector<16xi32>
    %select_n3A_939 = arith.select %gt3A_937, %sub3A_938, %broadcast_in_dim3A_11 : vector<16xi1>, vector<16xi32>
    %add3A_940 = arith.addi %add3A_922, %select_n3A_939 : vector<16xi32>
    %add3A_941 = arith.addi %add3A_923, %get3A_936 : vector<16xi32>
    %mul3A_942 = arith.constant 2 : i32
    %mul3A_943 = vector.broadcast %mul3A_942 : i32 to vector<16xi32>
    %mul3A_944 = arith.muli %mul3A_943, %iota3A : vector<16xi32>
    %add3A_945 = arith.constant 1664 : i32
    %add3A_946 = vector.broadcast %add3A_945 : i32 to vector<16xi32>
    %add3A_947 = arith.addi %add3A_946, %mul3A_944 : vector<16xi32>
    %gather3A_948 = tpu.vector_load_idx %arg5[%add3A_947] : memref<2048xf32, #tpu.memory_space<vmem>>[vector<16xi32>], vector<16xf32>,
    %add3A_949 = arith.constant 1 : i32
    %add3A_950 = vector.broadcast %add3A_949 : i32 to vector<16xi32>
    %add3A_951 = arith.addi %add3A_947, %add3A_950 : vector<16xi32>
    %gather3A_952 = tpu.vector_load_idx %arg5[%add3A_951] : memref<2048xf32, #tpu.memory_space<vmem>>[vector<16xi32>], vector<16xf32>,
    %get3A_953 = arith.constant 832 : index
    %get3A_954 = tpu.vector_load %arg6[%get3A_953] {strides = array<i32>} : memref<1024xi32, #tpu.memory_space<vmem>>, vector<16xi32>,
    %gt3A_955 = arith.cmpf ogt, %gather3A_952, %gather3A_948 : vector<16xf32>
    %sub3A_956 = arith.subi %broadcast_in_dim3A_9, %get3A_954 : vector<16xi32>
    %select_n3A_957 = arith.select %gt3A_955, %sub3A_956, %broadcast_in_dim3A_11 : vector<16xi1>, vector<16xi32>
    %add3A_958 = arith.addi %add3A_940, %select_n3A_957 : vector<16xi32>
    %add3A_959 = arith.addi %add3A_941, %get3A_954 : vector<16xi32>
    %mul3A_960 = arith.constant 2 : i32
    %mul3A_961 = vector.broadcast %mul3A_960 : i32 to vector<16xi32>
    %mul3A_962 = arith.muli %mul3A_961, %iota3A : vector<16xi32>
    %add3A_963 = arith.constant 1696 : i32
    %add3A_964 = vector.broadcast %add3A_963 : i32 to vector<16xi32>
    %add3A_965 = arith.addi %add3A_964, %mul3A_962 : vector<16xi32>
    %gather3A_966 = tpu.vector_load_idx %arg5[%add3A_965] : memref<2048xf32, #tpu.memory_space<vmem>>[vector<16xi32>], vector<16xf32>,
    %add3A_967 = arith.constant 1 : i32
    %add3A_968 = vector.broadcast %add3A_967 : i32 to vector<16xi32>
    %add3A_969 = arith.addi %add3A_965, %add3A_968 : vector<16xi32>
    %gather3A_970 = tpu.vector_load_idx %arg5[%add3A_969] : memref<2048xf32, #tpu.memory_space<vmem>>[vector<16xi32>], vector<16xf32>,
    %get3A_971 = arith.constant 848 : index
    %get3A_972 = tpu.vector_load %arg6[%get3A_971] {strides = array<i32>} : memref<1024xi32, #tpu.memory_space<vmem>>, vector<16xi32>,
    %gt3A_973 = arith.cmpf ogt, %gather3A_970, %gather3A_966 : vector<16xf32>
    %sub3A_974 = arith.subi %broadcast_in_dim3A_9, %get3A_972 : vector<16xi32>
    %select_n3A_975 = arith.select %gt3A_973, %sub3A_974, %broadcast_in_dim3A_11 : vector<16xi1>, vector<16xi32>
    %add3A_976 = arith.addi %add3A_958, %select_n3A_975 : vector<16xi32>
    %add3A_977 = arith.addi %add3A_959, %get3A_972 : vector<16xi32>
    %mul3A_978 = arith.constant 2 : i32
    %mul3A_979 = vector.broadcast %mul3A_978 : i32 to vector<16xi32>
    %mul3A_980 = arith.muli %mul3A_979, %iota3A : vector<16xi32>
    %add3A_981 = arith.constant 1728 : i32
    %add3A_982 = vector.broadcast %add3A_981 : i32 to vector<16xi32>
    %add3A_983 = arith.addi %add3A_982, %mul3A_980 : vector<16xi32>
    %gather3A_984 = tpu.vector_load_idx %arg5[%add3A_983] : memref<2048xf32, #tpu.memory_space<vmem>>[vector<16xi32>], vector<16xf32>,
    %add3A_985 = arith.constant 1 : i32
    %add3A_986 = vector.broadcast %add3A_985 : i32 to vector<16xi32>
    %add3A_987 = arith.addi %add3A_983, %add3A_986 : vector<16xi32>
    %gather3A_988 = tpu.vector_load_idx %arg5[%add3A_987] : memref<2048xf32, #tpu.memory_space<vmem>>[vector<16xi32>], vector<16xf32>,
    %get3A_989 = arith.constant 864 : index
    %get3A_990 = tpu.vector_load %arg6[%get3A_989] {strides = array<i32>} : memref<1024xi32, #tpu.memory_space<vmem>>, vector<16xi32>,
    %gt3A_991 = arith.cmpf ogt, %gather3A_988, %gather3A_984 : vector<16xf32>
    %sub3A_992 = arith.subi %broadcast_in_dim3A_9, %get3A_990 : vector<16xi32>
    %select_n3A_993 = arith.select %gt3A_991, %sub3A_992, %broadcast_in_dim3A_11 : vector<16xi1>, vector<16xi32>
    %add3A_994 = arith.addi %add3A_976, %select_n3A_993 : vector<16xi32>
    %add3A_995 = arith.addi %add3A_977, %get3A_990 : vector<16xi32>
    %mul3A_996 = arith.constant 2 : i32
    %mul3A_997 = vector.broadcast %mul3A_996 : i32 to vector<16xi32>
    %mul3A_998 = arith.muli %mul3A_997, %iota3A : vector<16xi32>
    %add3A_999 = arith.constant 1760 : i32
    %add3A_1000 = vector.broadcast %add3A_999 : i32 to vector<16xi32>
    %add3A_1001 = arith.addi %add3A_1000, %mul3A_998 : vector<16xi32>
    %gather3A_1002 = tpu.vector_load_idx %arg5[%add3A_1001] : memref<2048xf32, #tpu.memory_space<vmem>>[vector<16xi32>], vector<16xf32>,
    %add3A_1003 = arith.constant 1 : i32
    %add3A_1004 = vector.broadcast %add3A_1003 : i32 to vector<16xi32>
    %add3A_1005 = arith.addi %add3A_1001, %add3A_1004 : vector<16xi32>
    %gather3A_1006 = tpu.vector_load_idx %arg5[%add3A_1005] : memref<2048xf32, #tpu.memory_space<vmem>>[vector<16xi32>], vector<16xf32>,
    %get3A_1007 = arith.constant 880 : index
    %get3A_1008 = tpu.vector_load %arg6[%get3A_1007] {strides = array<i32>} : memref<1024xi32, #tpu.memory_space<vmem>>, vector<16xi32>,
    %gt3A_1009 = arith.cmpf ogt, %gather3A_1006, %gather3A_1002 : vector<16xf32>
    %sub3A_1010 = arith.subi %broadcast_in_dim3A_9, %get3A_1008 : vector<16xi32>
    %select_n3A_1011 = arith.select %gt3A_1009, %sub3A_1010, %broadcast_in_dim3A_11 : vector<16xi1>, vector<16xi32>
    %add3A_1012 = arith.addi %add3A_994, %select_n3A_1011 : vector<16xi32>
    %add3A_1013 = arith.addi %add3A_995, %get3A_1008 : vector<16xi32>
    %mul3A_1014 = arith.constant 2 : i32
    %mul3A_1015 = vector.broadcast %mul3A_1014 : i32 to vector<16xi32>
    %mul3A_1016 = arith.muli %mul3A_1015, %iota3A : vector<16xi32>
    %add3A_1017 = arith.constant 1792 : i32
    %add3A_1018 = vector.broadcast %add3A_1017 : i32 to vector<16xi32>
    %add3A_1019 = arith.addi %add3A_1018, %mul3A_1016 : vector<16xi32>
    %gather3A_1020 = tpu.vector_load_idx %arg5[%add3A_1019] : memref<2048xf32, #tpu.memory_space<vmem>>[vector<16xi32>], vector<16xf32>,
    %add3A_1021 = arith.constant 1 : i32
    %add3A_1022 = vector.broadcast %add3A_1021 : i32 to vector<16xi32>
    %add3A_1023 = arith.addi %add3A_1019, %add3A_1022 : vector<16xi32>
    %gather3A_1024 = tpu.vector_load_idx %arg5[%add3A_1023] : memref<2048xf32, #tpu.memory_space<vmem>>[vector<16xi32>], vector<16xf32>,
    %get3A_1025 = arith.constant 896 : index
    %get3A_1026 = tpu.vector_load %arg6[%get3A_1025] {strides = array<i32>} : memref<1024xi32, #tpu.memory_space<vmem>>, vector<16xi32>,
    %gt3A_1027 = arith.cmpf ogt, %gather3A_1024, %gather3A_1020 : vector<16xf32>
    %sub3A_1028 = arith.subi %broadcast_in_dim3A_9, %get3A_1026 : vector<16xi32>
    %select_n3A_1029 = arith.select %gt3A_1027, %sub3A_1028, %broadcast_in_dim3A_11 : vector<16xi1>, vector<16xi32>
    %add3A_1030 = arith.addi %add3A_1012, %select_n3A_1029 : vector<16xi32>
    %add3A_1031 = arith.addi %add3A_1013, %get3A_1026 : vector<16xi32>
    %mul3A_1032 = arith.constant 2 : i32
    %mul3A_1033 = vector.broadcast %mul3A_1032 : i32 to vector<16xi32>
    %mul3A_1034 = arith.muli %mul3A_1033, %iota3A : vector<16xi32>
    %add3A_1035 = arith.constant 1824 : i32
    %add3A_1036 = vector.broadcast %add3A_1035 : i32 to vector<16xi32>
    %add3A_1037 = arith.addi %add3A_1036, %mul3A_1034 : vector<16xi32>
    %gather3A_1038 = tpu.vector_load_idx %arg5[%add3A_1037] : memref<2048xf32, #tpu.memory_space<vmem>>[vector<16xi32>], vector<16xf32>,
    %add3A_1039 = arith.constant 1 : i32
    %add3A_1040 = vector.broadcast %add3A_1039 : i32 to vector<16xi32>
    %add3A_1041 = arith.addi %add3A_1037, %add3A_1040 : vector<16xi32>
    %gather3A_1042 = tpu.vector_load_idx %arg5[%add3A_1041] : memref<2048xf32, #tpu.memory_space<vmem>>[vector<16xi32>], vector<16xf32>,
    %get3A_1043 = arith.constant 912 : index
    %get3A_1044 = tpu.vector_load %arg6[%get3A_1043] {strides = array<i32>} : memref<1024xi32, #tpu.memory_space<vmem>>, vector<16xi32>,
    %gt3A_1045 = arith.cmpf ogt, %gather3A_1042, %gather3A_1038 : vector<16xf32>
    %sub3A_1046 = arith.subi %broadcast_in_dim3A_9, %get3A_1044 : vector<16xi32>
    %select_n3A_1047 = arith.select %gt3A_1045, %sub3A_1046, %broadcast_in_dim3A_11 : vector<16xi1>, vector<16xi32>
    %add3A_1048 = arith.addi %add3A_1030, %select_n3A_1047 : vector<16xi32>
    %add3A_1049 = arith.addi %add3A_1031, %get3A_1044 : vector<16xi32>
    %mul3A_1050 = arith.constant 2 : i32
    %mul3A_1051 = vector.broadcast %mul3A_1050 : i32 to vector<16xi32>
    %mul3A_1052 = arith.muli %mul3A_1051, %iota3A : vector<16xi32>
    %add3A_1053 = arith.constant 1856 : i32
    %add3A_1054 = vector.broadcast %add3A_1053 : i32 to vector<16xi32>
    %add3A_1055 = arith.addi %add3A_1054, %mul3A_1052 : vector<16xi32>
    %gather3A_1056 = tpu.vector_load_idx %arg5[%add3A_1055] : memref<2048xf32, #tpu.memory_space<vmem>>[vector<16xi32>], vector<16xf32>,
    %add3A_1057 = arith.constant 1 : i32
    %add3A_1058 = vector.broadcast %add3A_1057 : i32 to vector<16xi32>
    %add3A_1059 = arith.addi %add3A_1055, %add3A_1058 : vector<16xi32>
    %gather3A_1060 = tpu.vector_load_idx %arg5[%add3A_1059] : memref<2048xf32, #tpu.memory_space<vmem>>[vector<16xi32>], vector<16xf32>,
    %get3A_1061 = arith.constant 928 : index
    %get3A_1062 = tpu.vector_load %arg6[%get3A_1061] {strides = array<i32>} : memref<1024xi32, #tpu.memory_space<vmem>>, vector<16xi32>,
    %gt3A_1063 = arith.cmpf ogt, %gather3A_1060, %gather3A_1056 : vector<16xf32>
    %sub3A_1064 = arith.subi %broadcast_in_dim3A_9, %get3A_1062 : vector<16xi32>
    %select_n3A_1065 = arith.select %gt3A_1063, %sub3A_1064, %broadcast_in_dim3A_11 : vector<16xi1>, vector<16xi32>
    %add3A_1066 = arith.addi %add3A_1048, %select_n3A_1065 : vector<16xi32>
    %add3A_1067 = arith.addi %add3A_1049, %get3A_1062 : vector<16xi32>
    %mul3A_1068 = arith.constant 2 : i32
    %mul3A_1069 = vector.broadcast %mul3A_1068 : i32 to vector<16xi32>
    %mul3A_1070 = arith.muli %mul3A_1069, %iota3A : vector<16xi32>
    %add3A_1071 = arith.constant 1888 : i32
    %add3A_1072 = vector.broadcast %add3A_1071 : i32 to vector<16xi32>
    %add3A_1073 = arith.addi %add3A_1072, %mul3A_1070 : vector<16xi32>
    %gather3A_1074 = tpu.vector_load_idx %arg5[%add3A_1073] : memref<2048xf32, #tpu.memory_space<vmem>>[vector<16xi32>], vector<16xf32>,
    %add3A_1075 = arith.constant 1 : i32
    %add3A_1076 = vector.broadcast %add3A_1075 : i32 to vector<16xi32>
    %add3A_1077 = arith.addi %add3A_1073, %add3A_1076 : vector<16xi32>
    %gather3A_1078 = tpu.vector_load_idx %arg5[%add3A_1077] : memref<2048xf32, #tpu.memory_space<vmem>>[vector<16xi32>], vector<16xf32>,
    %get3A_1079 = arith.constant 944 : index
    %get3A_1080 = tpu.vector_load %arg6[%get3A_1079] {strides = array<i32>} : memref<1024xi32, #tpu.memory_space<vmem>>, vector<16xi32>,
    %gt3A_1081 = arith.cmpf ogt, %gather3A_1078, %gather3A_1074 : vector<16xf32>
    %sub3A_1082 = arith.subi %broadcast_in_dim3A_9, %get3A_1080 : vector<16xi32>
    %select_n3A_1083 = arith.select %gt3A_1081, %sub3A_1082, %broadcast_in_dim3A_11 : vector<16xi1>, vector<16xi32>
    %add3A_1084 = arith.addi %add3A_1066, %select_n3A_1083 : vector<16xi32>
    %add3A_1085 = arith.addi %add3A_1067, %get3A_1080 : vector<16xi32>
    %mul3A_1086 = arith.constant 2 : i32
    %mul3A_1087 = vector.broadcast %mul3A_1086 : i32 to vector<16xi32>
    %mul3A_1088 = arith.muli %mul3A_1087, %iota3A : vector<16xi32>
    %add3A_1089 = arith.constant 1920 : i32
    %add3A_1090 = vector.broadcast %add3A_1089 : i32 to vector<16xi32>
    %add3A_1091 = arith.addi %add3A_1090, %mul3A_1088 : vector<16xi32>
    %gather3A_1092 = tpu.vector_load_idx %arg5[%add3A_1091] : memref<2048xf32, #tpu.memory_space<vmem>>[vector<16xi32>], vector<16xf32>,
    %add3A_1093 = arith.constant 1 : i32
    %add3A_1094 = vector.broadcast %add3A_1093 : i32 to vector<16xi32>
    %add3A_1095 = arith.addi %add3A_1091, %add3A_1094 : vector<16xi32>
    %gather3A_1096 = tpu.vector_load_idx %arg5[%add3A_1095] : memref<2048xf32, #tpu.memory_space<vmem>>[vector<16xi32>], vector<16xf32>,
    %get3A_1097 = arith.constant 960 : index
    %get3A_1098 = tpu.vector_load %arg6[%get3A_1097] {strides = array<i32>} : memref<1024xi32, #tpu.memory_space<vmem>>, vector<16xi32>,
    %gt3A_1099 = arith.cmpf ogt, %gather3A_1096, %gather3A_1092 : vector<16xf32>
    %sub3A_1100 = arith.subi %broadcast_in_dim3A_9, %get3A_1098 : vector<16xi32>
    %select_n3A_1101 = arith.select %gt3A_1099, %sub3A_1100, %broadcast_in_dim3A_11 : vector<16xi1>, vector<16xi32>
    %add3A_1102 = arith.addi %add3A_1084, %select_n3A_1101 : vector<16xi32>
    %add3A_1103 = arith.addi %add3A_1085, %get3A_1098 : vector<16xi32>
    %mul3A_1104 = arith.constant 2 : i32
    %mul3A_1105 = vector.broadcast %mul3A_1104 : i32 to vector<16xi32>
    %mul3A_1106 = arith.muli %mul3A_1105, %iota3A : vector<16xi32>
    %add3A_1107 = arith.constant 1952 : i32
    %add3A_1108 = vector.broadcast %add3A_1107 : i32 to vector<16xi32>
    %add3A_1109 = arith.addi %add3A_1108, %mul3A_1106 : vector<16xi32>
    %gather3A_1110 = tpu.vector_load_idx %arg5[%add3A_1109] : memref<2048xf32, #tpu.memory_space<vmem>>[vector<16xi32>], vector<16xf32>,
    %add3A_1111 = arith.constant 1 : i32
    %add3A_1112 = vector.broadcast %add3A_1111 : i32 to vector<16xi32>
    %add3A_1113 = arith.addi %add3A_1109, %add3A_1112 : vector<16xi32>
    %gather3A_1114 = tpu.vector_load_idx %arg5[%add3A_1113] : memref<2048xf32, #tpu.memory_space<vmem>>[vector<16xi32>], vector<16xf32>,
    %get3A_1115 = arith.constant 976 : index
    %get3A_1116 = tpu.vector_load %arg6[%get3A_1115] {strides = array<i32>} : memref<1024xi32, #tpu.memory_space<vmem>>, vector<16xi32>,
    %gt3A_1117 = arith.cmpf ogt, %gather3A_1114, %gather3A_1110 : vector<16xf32>
    %sub3A_1118 = arith.subi %broadcast_in_dim3A_9, %get3A_1116 : vector<16xi32>
    %select_n3A_1119 = arith.select %gt3A_1117, %sub3A_1118, %broadcast_in_dim3A_11 : vector<16xi1>, vector<16xi32>
    %add3A_1120 = arith.addi %add3A_1102, %select_n3A_1119 : vector<16xi32>
    %add3A_1121 = arith.addi %add3A_1103, %get3A_1116 : vector<16xi32>
    %mul3A_1122 = arith.constant 2 : i32
    %mul3A_1123 = vector.broadcast %mul3A_1122 : i32 to vector<16xi32>
    %mul3A_1124 = arith.muli %mul3A_1123, %iota3A : vector<16xi32>
    %add3A_1125 = arith.constant 1984 : i32
    %add3A_1126 = vector.broadcast %add3A_1125 : i32 to vector<16xi32>
    %add3A_1127 = arith.addi %add3A_1126, %mul3A_1124 : vector<16xi32>
    %gather3A_1128 = tpu.vector_load_idx %arg5[%add3A_1127] : memref<2048xf32, #tpu.memory_space<vmem>>[vector<16xi32>], vector<16xf32>,
    %add3A_1129 = arith.constant 1 : i32
    %add3A_1130 = vector.broadcast %add3A_1129 : i32 to vector<16xi32>
    %add3A_1131 = arith.addi %add3A_1127, %add3A_1130 : vector<16xi32>
    %gather3A_1132 = tpu.vector_load_idx %arg5[%add3A_1131] : memref<2048xf32, #tpu.memory_space<vmem>>[vector<16xi32>], vector<16xf32>,
    %get3A_1133 = arith.constant 992 : index
    %get3A_1134 = tpu.vector_load %arg6[%get3A_1133] {strides = array<i32>} : memref<1024xi32, #tpu.memory_space<vmem>>, vector<16xi32>,
    %gt3A_1135 = arith.cmpf ogt, %gather3A_1132, %gather3A_1128 : vector<16xf32>
    %sub3A_1136 = arith.subi %broadcast_in_dim3A_9, %get3A_1134 : vector<16xi32>
    %select_n3A_1137 = arith.select %gt3A_1135, %sub3A_1136, %broadcast_in_dim3A_11 : vector<16xi1>, vector<16xi32>
    %add3A_1138 = arith.addi %add3A_1120, %select_n3A_1137 : vector<16xi32>
    %add3A_1139 = arith.addi %add3A_1121, %get3A_1134 : vector<16xi32>
    %mul3A_1140 = arith.constant 2 : i32
    %mul3A_1141 = vector.broadcast %mul3A_1140 : i32 to vector<16xi32>
    %mul3A_1142 = arith.muli %mul3A_1141, %iota3A : vector<16xi32>
    %add3A_1143 = arith.constant 2016 : i32
    %add3A_1144 = vector.broadcast %add3A_1143 : i32 to vector<16xi32>
    %add3A_1145 = arith.addi %add3A_1144, %mul3A_1142 : vector<16xi32>
    %gather3A_1146 = tpu.vector_load_idx %arg5[%add3A_1145] : memref<2048xf32, #tpu.memory_space<vmem>>[vector<16xi32>], vector<16xf32>,
    %add3A_1147 = arith.constant 1 : i32
    %add3A_1148 = vector.broadcast %add3A_1147 : i32 to vector<16xi32>
    %add3A_1149 = arith.addi %add3A_1145, %add3A_1148 : vector<16xi32>
    %gather3A_1150 = tpu.vector_load_idx %arg5[%add3A_1149] : memref<2048xf32, #tpu.memory_space<vmem>>[vector<16xi32>], vector<16xf32>,
    %get3A_1151 = arith.constant 1008 : index
    %get3A_1152 = tpu.vector_load %arg6[%get3A_1151] {strides = array<i32>} : memref<1024xi32, #tpu.memory_space<vmem>>, vector<16xi32>,
    %gt3A_1153 = arith.cmpf ogt, %gather3A_1150, %gather3A_1146 : vector<16xf32>
    %sub3A_1154 = arith.subi %broadcast_in_dim3A_9, %get3A_1152 : vector<16xi32>
    %select_n3A_1155 = arith.select %gt3A_1153, %sub3A_1154, %broadcast_in_dim3A_11 : vector<16xi1>, vector<16xi32>
    %add3A_1156 = arith.addi %add3A_1138, %select_n3A_1155 : vector<16xi32>
    %add3A_1157 = arith.addi %add3A_1139, %get3A_1152 : vector<16xi32>
    %convert_element_type3A = arith.sitofp %add3A_1156 : vector<16xi32> to vector<16xf32>
    %swap3A = arith.constant 0 : i32
    %swap3A_1158 = arith.index_cast %swap3A : i32 to index
    %swap3A_1159 = arith.constant 0 : index
    %swap3A_1160 = tpu.vector_load %arg7[%swap3A_1158, %swap3A_1159] {strides = array<i32>} : memref<2x16xf32, #tpu.memory_space<vmem>>, vector<16xf32>,
    tpu.vector_store %arg7[%swap3A_1158, %swap3A_1159], %convert_element_type3A {strides = array<i32>} : memref<2x16xf32, #tpu.memory_space<vmem>>, vector<16xf32>,
    %sub3A_1161 = arith.constant 64 : i32
    %sub3A_1162 = vector.broadcast %sub3A_1161 : i32 to vector<16xi32>
    %sub3A_1163 = arith.subi %sub3A_1162, %add3A_1157 : vector<16xi32>
    %convert_element_type3A_1164 = arith.sitofp %sub3A_1163 : vector<16xi32> to vector<16xf32>
    %swap3A_1165 = arith.constant 1 : i32
    %swap3A_1166 = arith.index_cast %swap3A_1165 : i32 to index
    %swap3A_1167 = arith.constant 0 : index
    %swap3A_1168 = tpu.vector_load %arg7[%swap3A_1166, %swap3A_1167] {strides = array<i32>} : memref<2x16xf32, #tpu.memory_space<vmem>>, vector<16xf32>,
    tpu.vector_store %arg7[%swap3A_1166, %swap3A_1167], %convert_element_type3A_1164 {strides = array<i32>} : memref<2x16xf32, #tpu.memory_space<vmem>>, vector<16xf32>,
    "tpu.region"() ({
      %run_scoped3A = tpu.sem_alloc : memref<!tpu.dma_semaphore, #tpu.memory_space<semaphore_mem>>
      %dma_start3A_1169 = arith.constant 0 : i32
      %dma_start3A_1170 = arith.constant 0 : i32
      %dma_start3A_1171 = tpu.memref_slice %arg4[%arg1, %dma_start3A_1169, %dma_start3A_1170] : memref<16x2x16xf32, #tpu.memory_space<hbm>> -> memref<1x2x16xf32, #tpu.memory_space<hbm>>
      %dma_start3A_1172 = tpu.memref_squeeze %dma_start3A_1171 : memref<1x2x16xf32, #tpu.memory_space<hbm>> -> memref<2x16xf32, #tpu.memory_space<hbm>>
      %dma_start3A_1173 = arith.constant 0 : i32
      %dma_start3A_1174 = arith.constant 0 : i32
      %dma_start3A_1175 = tpu.memref_slice %arg4[%arg1, %dma_start3A_1173, %dma_start3A_1174] : memref<16x2x16xf32, #tpu.memory_space<hbm>> -> memref<1x2x16xf32, #tpu.memory_space<hbm>>
      %dma_start3A_1176 = tpu.memref_squeeze %dma_start3A_1175 : memref<1x2x16xf32, #tpu.memory_space<hbm>> -> memref<2x16xf32, #tpu.memory_space<hbm>>
      tpu.enqueue_dma source(%arg7 : memref<2x16xf32, #tpu.memory_space<vmem>>) target(%dma_start3A_1176 : memref<2x16xf32, #tpu.memory_space<hbm>>) target_semaphore(%run_scoped3A : memref<!tpu.dma_semaphore, #tpu.memory_space<semaphore_mem>>)
      %dma_wait3A_1177 = arith.constant 0 : i32
      %dma_wait3A_1178 = arith.constant 0 : i32
      %dma_wait3A_1179 = tpu.memref_slice %arg4[%arg1, %dma_wait3A_1177, %dma_wait3A_1178] : memref<16x2x16xf32, #tpu.memory_space<hbm>> -> memref<1x2x16xf32, #tpu.memory_space<hbm>>
      %dma_wait3A_1180 = tpu.memref_squeeze %dma_wait3A_1179 : memref<1x2x16xf32, #tpu.memory_space<hbm>> -> memref<2x16xf32, #tpu.memory_space<hbm>>
      %dma_wait3A_1181 = arith.constant 0 : i32
      %dma_wait3A_1182 = arith.constant 0 : i32
      %dma_wait3A_1183 = tpu.memref_slice %arg4[%arg1, %dma_wait3A_1181, %dma_wait3A_1182] : memref<16x2x16xf32, #tpu.memory_space<hbm>> -> memref<1x2x16xf32, #tpu.memory_space<hbm>>
      %dma_wait3A_1184 = tpu.memref_squeeze %dma_wait3A_1183 : memref<1x2x16xf32, #tpu.memory_space<hbm>> -> memref<2x16xf32, #tpu.memory_space<hbm>>
      tpu.wait_dma2 semaphore(%run_scoped3A : memref<!tpu.dma_semaphore, #tpu.memory_space<semaphore_mem>>) src(%arg7 : memref<2x16xf32, #tpu.memory_space<vmem>>) dst(%dma_wait3A_1184 : memref<2x16xf32, #tpu.memory_space<hbm>>)
      tpu.yield
    }) : () -> ()
    return
  }
}

module attributes {stable_mosaic.version = 14 : i64} {
  func.func @_combine_body(%arg0: memref<16x2x16xf32, #tpu.memory_space<vmem>>, %arg1: memref<1x1xf32, #tpu.memory_space<vmem>>) attributes {dimension_semantics = [], scalar_prefetch = 0 : i64, scratch_operands = 0 : i64, tpu.core_type = #tpu.core_type<tc>} {
    %get3A = arith.constant 0 : index
    %get3A_0 = arith.constant 0 : index
    %get3A_1 = arith.constant 0 : index
    %get3A_2 = vector.load %arg0[%get3A, %get3A_0, %get3A_1] : memref<16x2x16xf32, #tpu.memory_space<vmem>>, vector<16x1x16xf32>
    %get3A_3 = vector.shape_cast %get3A_2 : vector<16x1x16xf32> to vector<16x16xf32>
    %reduce_sum3A = vector.shape_cast %get3A_3 : vector<16x16xf32> to vector<1x16x16xf32>
    %reduce_sum3A_4 = arith.constant dense<0.000000e+00> : vector<1xf32>
    %reduce_sum3A_5 = vector.multi_reduction <add>, %reduce_sum3A, %reduce_sum3A_4 [1, 2] : vector<1x16x16xf32> to vector<1xf32>
    %reduce_sum3A_6 = vector.shape_cast %reduce_sum3A_5 : vector<1xf32> to vector<1x1x1xf32>
    %reduce_sum3A_7 = vector.extract %reduce_sum3A_6[0, 0, 0] : f32 from vector<1x1x1xf32>
    %get3A_8 = arith.constant 0 : index
    %get3A_9 = arith.constant 1 : index
    %get3A_10 = arith.constant 0 : index
    %get3A_11 = vector.load %arg0[%get3A_8, %get3A_9, %get3A_10] : memref<16x2x16xf32, #tpu.memory_space<vmem>>, vector<16x1x16xf32>
    %get3A_12 = vector.shape_cast %get3A_11 : vector<16x1x16xf32> to vector<16x16xf32>
    %reduce_sum3A_13 = vector.shape_cast %get3A_12 : vector<16x16xf32> to vector<1x16x16xf32>
    %reduce_sum3A_14 = arith.constant dense<0.000000e+00> : vector<1xf32>
    %reduce_sum3A_15 = vector.multi_reduction <add>, %reduce_sum3A_13, %reduce_sum3A_14 [1, 2] : vector<1x16x16xf32> to vector<1xf32>
    %reduce_sum3A_16 = vector.shape_cast %reduce_sum3A_15 : vector<1xf32> to vector<1x1x1xf32>
    %reduce_sum3A_17 = vector.extract %reduce_sum3A_16[0, 0, 0] : f32 from vector<1x1x1xf32>
    %add3A = arith.constant 1.000000e-10 : f32
    %add3A_18 = arith.addf %reduce_sum3A_17, %add3A : f32
    %div3A = arith.divf %reduce_sum3A_7, %add3A_18 : f32
    %reshape3A = vector.broadcast %div3A : f32 to vector<1x1xf32>
    %swap3A = arith.constant 0 : index
    %swap3A_19 = arith.constant 0 : index
    %swap3A_20 = vector.load %arg1[%swap3A, %swap3A_19] : memref<1x1xf32, #tpu.memory_space<vmem>>, vector<1x1xf32>
    tpu.vector_store %arg1[%swap3A, %swap3A_19], %reshape3A {strides = array<i32>} : memref<1x1xf32, #tpu.memory_space<vmem>>, vector<1x1xf32>,
    return
  }
}

</mosaic_0001>

<sc_bundles>
// kernel: kernel.4.cloned.1.call-start
scs
__scs_entry_jumppad:
0x0: {  	(pc) =	sbr.rel $0x88, $3  }
0x1: {  	(tag) =	ssettag $0x0;
	lr =	simm.s32 $0x1  }
0x2: {  	[smem:$0x3F9F] =	sst lr;
	_ =	strace $0xD0000000  }
0x3: {  	_ = 	snop  }
0x4: {  	_ = 	snop  }
0x5: {  	_ = 	snop  }
0x6: {  	_ = 	snop  }
0x7: {  	_ = 	snop  }
__scs_overlays_trampoline_lowered:
0x8: {  	[smem:$0x3FAE] =	sst s0  }
0x9: {  	[smem:$0x3FAF] =	sst s1  }
0xa: {  	[smem:$0x3FB0] =	sst s2  }
0xb: {  	[smem:$0x3FB1] =	sst s3  }
0xc: {  	[smem:$0x3FB2] =	sst s4  }
0xd: {  	[smem:$0x3FB3] =	sst s5  }
0xe: {  	[smem:$0x3FB4] =	sst s6  }
0xf: {  	[smem:$0x3FB5] =	sst s7  }
0x10: {  	[smem:$0x3FB6] =	sst s8  }
0x11: {  	[smem:$0x3FB7] =	sst s9;
	s0 =	simm.s32 @!p0 $0x0  }
0x12: {  	s1 =	sld [smem:$0x3F9D];
	s0 =	simm.s32 @p0 $0x1  }
0x13: {  	[smem:$0x3FB8] =	sst s0;
	s0 =	simm.s32 @!p1 $0x0  }
0x14: {  	s2 =	sld [smem:$0x3F9C];
	s0 =	simm.s32 @p1 $0x1  }
0x15: {  	[smem:$0x3FB9] =	sst s0;
	s0 =	simm.s32 @!p2 $0x0  }
0x16: {  	s3 =	sld [smem:$0x3FDB];
	s0 =	simm.s32 @p2 $0x1  }
0x17: {  	s4 =	simm.s32 $0x1BF5;
	[smem:$0x3FBB] =	sst s0  }
0x18: {  	s0 =	sld [smem:$0x3F9E];
	_ =	swait.ge [sflag:s4], $0x0  }
0x19: {  	s7 =	sld [smem:$0x3F9F]  }
0x1a: {  	s8 =	sadd.s32 $0xFFFFE003, lr  }
0x1b: {  	s9 =	sadd.s32 $0xFFFFFEF7, lr;
	s5 =	simm.s32 $0xFFFFFFFF;
	p2 =	slt.u32 s8, $0xFFFFF086  }
0x1c: {  	p1 =	slt.u32 s9, $0xF7A;
	s5 =	simm.s32 @!p2 $0x0  }
0x1d: {  	s5 =	simm.s32 @p1 $0x1;
	p0 =	seq.s32 s7, s2  }
0x1e: {  	s7 =	smul.u32 @!p0 $0xF7A, s2;
	p2 =	seq.s32 @!p0 s5, $0x0  }
0x1f: {  	s9 =	smul.u32 $0xF7A, s1;
	s8 =	simm.s32 @!p0 $0x1BF5;
	p2 =	por !p2, p0  }
0x20: {  	[sflag:s8] =	ssyncset.s32 @!p0 $0xFFFFF086;
	s6 =	sadd.s32 @!p0 s3, s7;
	s7 =	simm.s32 @!p0 $0x108  }
0x21: {  	s3 =	sadd.s32 s3, s9;
	s6 =	sadd.s32 @!p0 $0x88, s6;
	s7 =	simm.s32 @p2 $0x1082  }
0x22: {  	[simem:s7], [sflag:s8] =	dma.local @!p0 [hbm:s6], $0xF7A  }
0x23: {  	s9 =	sor.u32 $0xD0000000, s2;
	s6 =	simm.s32 $0x108;
	_ =	swait.ge @!p0 [sflag:s8], $0x0  }
0x24: {  	s3 =	sadd.s32 $0x88, s3;
	s6 =	simm.s32 @!p1 $0x1082;
	[sflag:s4] =	ssyncset.s32 $0xFFFFF086  }
0x25: {  	[simem:s6], [sflag:s4] =	dma.local [hbm:s3], $0xF7A  }
0x26: {  	[smem:$0x3F9F] =	sst s1;
	(tag) =	ssettag s2;
	_ =	strace s9  }
0x27: {  	s1 =	sld [smem:$0x3FAF]  }
0x28: {  	s2 =	sld [smem:$0x3FB0]  }
0x29: {  	s4 =	sld [smem:$0x3FB2]  }
0x2a: {  	p0 =	seq.s32 s5, $0x0;
	s5 =	sld [smem:$0x3FB3]  }
0x2b: {  	s6 =	sld [smem:$0x3FB4]  }
0x2c: {  	s7 =	sld [smem:$0x3FB5]  }
0x2d: {  	s3 =	simm.s32 $0x108;
	s8 =	sld [smem:$0x3FB6]  }
0x2e: {  	s3 =	simm.s32 @!p0 $0x1082;
	s9 =	sld [smem:$0x3FB7]  }
0x2f: {  	lr =	sadd.s32 s0, s3;
	s0 =	sld [smem:$0x3FAE]  }
0x30: {  	s3 =	sld [smem:$0x3FB1]  }
0x31: {  	[smem:$0x3FBA] =	sst s10  }
0x32: {  	s10 =	sld [smem:$0x3FB8];
	_ =	sdelay $0x3  }
0x33: {  	p0 =	seq.s32 s10, $0x1;
	s10 =	sld [smem:$0x3FBA];
	_ =	sdelay $0x3  }
0x34: {  	[smem:$0x3FBA] =	sst s10  }
0x35: {  	s10 =	sld [smem:$0x3FB9];
	_ =	sdelay $0x3  }
0x36: {  	p1 =	seq.s32 s10, $0x1;
	s10 =	sld [smem:$0x3FBA];
	_ =	sdelay $0x3  }
0x37: {  	[smem:$0x3FBA] =	sst s10  }
0x38: {  	s10 =	sld [smem:$0x3FBB]  }
0x39: {  	_ = 	snop;
	(pc) =	sbr.ind lr, $3  }
0x3a: {  	_ = 	snop  }
0x3b: {  	_ = 	snop  }
0x3c: {  	p2 =	seq.s32 s10, $0x1;
	s10 =	sld [smem:$0x3FBA]  }
0x3d: {  	_ =	shalt  }
0x3e: {  	_ =	shalt  }
0x3f: {  	_ =	shalt  }
0x40: {  	_ =	shalt  }
0x41: {  	_ =	shalt  }
0x42: {  	_ =	shalt  }
0x43: {  	_ =	shalt  }
0x44: {  	_ =	shalt  }
0x45: {  	_ =	shalt  }
0x46: {  	_ =	shalt  }
0x47: {  	_ =	shalt  }
0x48: {  	_ =	shalt  }
0x49: {  	_ =	shalt  }
0x4a: {  	_ =	shalt  }
0x4b: {  	_ =	shalt  }
0x4c: {  	_ =	shalt  }
0x4d: {  	_ =	shalt  }
0x4e: {  	_ =	shalt  }
0x4f: {  	_ =	shalt  }
0x50: {  	_ =	shalt  }
0x51: {  	_ =	shalt  }
0x52: {  	_ =	shalt  }
0x53: {  	_ =	shalt  }
0x54: {  	_ =	shalt  }
0x55: {  	_ =	shalt  }
0x56: {  	_ =	shalt  }
0x57: {  	_ =	shalt  }
0x58: {  	_ =	shalt  }
0x59: {  	_ =	shalt  }
0x5a: {  	_ =	shalt  }
0x5b: {  	_ =	shalt  }
0x5c: {  	_ =	shalt  }
0x5d: {  	_ =	shalt  }
0x5e: {  	_ =	shalt  }
0x5f: {  	_ =	shalt  }
0x60: {  	_ =	shalt  }
0x61: {  	_ =	shalt  }
0x62: {  	_ =	shalt  }
0x63: {  	_ =	shalt  }
0x64: {  	_ =	shalt  }
0x65: {  	_ =	shalt  }
0x66: {  	_ =	shalt  }
0x67: {  	_ =	shalt  }
0x68: {  	_ =	shalt  }
0x69: {  	_ =	shalt  }
0x6a: {  	_ =	shalt  }
0x6b: {  	_ =	shalt  }
0x6c: {  	_ =	shalt  }
0x6d: {  	_ =	shalt  }
0x6e: {  	_ =	shalt  }
0x6f: {  	_ =	shalt  }
0x70: {  	_ =	shalt  }
0x71: {  	_ =	shalt  }
0x72: {  	_ =	shalt  }
0x73: {  	_ =	shalt  }
0x74: {  	_ =	shalt  }
0x75: {  	_ =	shalt  }
0x76: {  	_ =	shalt  }
0x77: {  	_ =	shalt  }
0x78: {  	_ =	shalt  }
0x79: {  	_ =	shalt  }
0x7a: {  	_ =	shalt  }
0x7b: {  	_ =	shalt  }
0x7c: {  	_ =	shalt  }
0x7d: {  	_ =	shalt  }
0x7e: {  	_ =	shalt  }
0x7f: {  	_ =	shalt  }
0x80: {  	_ =	shalt  }
0x81: {  	_ =	shalt  }
0x82: {  	_ =	shalt  }
0x83: {  	_ =	shalt  }
0x84: {  	_ =	shalt  }
0x85: {  	_ =	shalt  }
0x86: {  	_ =	shalt  }
0x87: {  	_ =	shalt  }
.Lfunc_end0:
.L_simem_size_0:
called_computation_lowered:
.L_overlay_start_0:
0x88: {  	s0 =	sld [smem:$0x3FD9]  }
0x89: {  	s1 =	sld [smem:$0x3FFE];
	_ =	sdelay $0x3  }
0x8a: {  	s0 =	sadd.s32 s1, s0  }
0x8b: {  	[smem:$0x3FC6] =	sst s0  }
0x8c: {  	_ = 	snop  }
0x8d: {  	s0 =	sld [smem:$0x3FC8];
	(tm) =	ssettm $0x1  }
0x8e: {  	s16 =	sld [smem:$0x3FFB];
	_ =	sdelay $0x3  }
0x8f: {  	_ =	strace s16  }
0x90: {  	s1 =	sld [smem:$0x3FFC];
	_ =	sdelay $0x3  }
0x91: {  	_ =	strace s1  }
0x92: {  	s1 =	sld [smem:$0x3FFD];
	_ =	sdelay $0x3  }
0x93: {  	_ =	strace s1  }
0x94: {  	_ =	strace $0x8FFFFFFF  }
0x95: {  	s17 =	sld [smem:$0x3FDB];
	_ =	sdelay $0x1  }
0x96: {  	s2 =	simm.s32 $_scs_section_size  }
0x97: {  	s3 =	simm.s32 $_size__tile_overlayer_lowered;
	s4 =	simm.s32 $_tile_overlayer_lowered  }
0x98: {  	s20 =	simm.s32 $0x1BFF;
	s19 =	sshll.u32 s4, $0x1;
	s1 =	sadd.s32 s2, s17  }
0x99: {  	s5 =	simm.s32 $0x0;
	s18 =	sshll.u32 s3, $0x1;
	s3 =	sadd.s32 s19, s1  }
0x9a: {  	[timem:s5], [sflag:s20] =	dma.local [hbm:s3], s18  }
0x9b: {  	_ =	swait.ge [sflag:s20], s18  }
0x9c: {  	s2 =	ssub.s32 $0x0, s18;
	[sflag:s20] =	ssyncset.done $0x0  }
0x9d: {  	[sflag:s20] =	ssyncadd.s32 s2;
	_ =	sdelay $0x1  }
0x9e: {  	s21 =	simm.s32 $0x1B8B  }
0x9f: {  	_ =	swait.ge [sflag:s21], $0x1  }
0xa0: {  	[sflag:s21] =	ssyncset.done $0x0  }
0xa1: {  	s23 =	simm.s32 $0x1B8E;
	s22 =	sld [smem:$0x3FFE];
	[sflag:s21] =	ssyncadd.s32 $0xFFFFFFFF  }
0xa2: {  	s24 =	simm.s32 $execute0_lowered;
	[smem:$0x3FD2] =	sst s23  }
0xa3: {  	s3 =	sshll.u32 s24, $0x1;
	_ =	strace $0x80000046;
	[dreg:$0x1] =	wrdreg $0xFFFFFFFF  }
0xa4: {  	s25 =	simm.s32 $_size_execute0_lowered;
	s1 =	sadd.s32 s1, s3;
	[dreg:$0x0] =	wrdreg $0x0  }
0xa5: {  	s3 =	sshll.u32 s25, $0x1;
	[dreg:$0x2] =	wrdreg s1  }
0xa6: {  	[dreg:$0x3] =	wrdreg s3  }
0xa7: {  	[dreg:$0x4] =	wrdreg $0xC0  }
0xa8: {  	_ =	task [dreg:s5], $0x5FFFF  }
0xa9: {  	[dreg:$0x1] =	wrdreg $0xFFFFFFFF  }
0xaa: {  	[dreg:$0x0] =	wrdreg $0x60  }
0xab: {  	[dreg:$0x2] =	wrdreg s22  }
0xac: {  	[dreg:$0x3] =	wrdreg s0  }
0xad: {  	[dreg:$0x4] =	wrdreg $0x9  }
0xae: {  	_ =	task.clear_ibuf [dreg:s5], $0x5FFFF;
	_ =	strace $0x90000046  }
0xaf: {  	s26 =	simm.s32 $0x9;
	_ =	strace $0x80000048  }
0xb0: {  	_ =	swait.ge [sflag:s26], $0x1  }
0xb1: {  	[sflag:s26] =	ssyncadd.s32 $0xFFFFFFFF  }
0xb2: {  	_ =	strace $0x90000048  }
0xb3: {  	_ =	sfence  }
0xb4: {  	s28 =	sld [smem:$0x0];
	_ =	sdelay $0x1  }
0xb5: {  	s29 =	srdreg.scid  }
0xb6: {  	s30 =	sshll.u32 s29, $0xD;
	s31 =	sshrl.u32 s29, $0x2  }
0xb7: {  	s2 =	sand.u32 $0x4000, s30;
	s1 =	sand.u32 $0x1, s29;
	s0 =	sadd.s32 s31, s28  }
0xb8: {  	s1 =	sor.u32 s2, s1;
	s0 =	sshll.u32 s0, $0x11  }
0xb9: {  	s0 =	sor.u32 s0, s1  }
0xba: {  	s0 =	sadd.s32 $0x8F2B, s0  }
0xbb: {  	[sflag:s0] =	ssyncadd.remote.s32 $0x1  }
0xbc: {  	_ =	sfence.sel $0xFFFF  }
0xbd: {  	[dreg:$0x0] =	wrdreg $0xFFFFFFFF;
	(pc) =	sbr.abs _section_cstart, $3  }
0xbe: {  	[dreg:$0x1] =	wrdreg $0xFFFFFFFF  }
0xbf: {  	_ =	task.clear_ibuf [dreg:s5], $0x2FFFF;
	_ =	strace $0x9FFFFFFF  }
0xc0: {  	(tm) =	ssettm $0x7FFFFFFF  }
0xc1: {  	_ =	shalt  }
tec
execute0_lowered:
.L_overlay_start_1:
0x0: {  	(tag) =	ssettag $0x1  }
0x1: {  	s2 =	rddreg [dreg:$0x0]  }
0x2: {  	s4 =	rddreg [dreg:$0x1];
	s1 =	stileid.u32  }
0x3: {  	s0 =	rddreg [dreg:$0x2];
	s3 =	simm.s32 $0x0;
	s5 =	sshll.u32 s1, $0x8  }
0x4: {  	[smem:$0x7FF] =	sst s3;
	s5 =	sadd.s32 s5, s2  }
0x5: {  	s6 =	sshll.u32 s1, $0x7;
	_ =	strace $0x80000047;
	s5 =	sadd.s32 $0x600, s5  }
0x6: {  	[tilespmem:s3], [sflag:$0x1] =	stream.linear.gather [hbm4b:s5+s3], $0x800, $0x38;
	[tilespmem:$0xD00] =	vst v63  }
0x7: {  	s25 =	simm.s32 $0x800;
	s26 =	simm.s32 $0x1;
	s4 =	sadd.s32 s4, s6  }
0x8: {  	v0 =	vlaneseq.u32;
	[tilespmem:s25], [sflag:$0x2] =	stream.linear.gather [hbm4b:s4+s3], $0x400, $0x38;
	[tilespmem:$0xD00] =	vst v63  }
0x9: {  	v0 =	vmul.u32 $0x2, v0;
	_ =	swait.ge [sflag:s26], $0x800  }
0xa: {  	[sflag:s26] =	ssyncset.done $0x0  }
0xb: {  	s28 =	simm.s32 $0x2;
	v1 =	vor.u32 $0x1, v0;
	[sflag:s26] =	ssyncadd.s32 $0xFFFFF800  }
0xc: {  	_ =	swait.ge [sflag:s28], $0x400  }
0xd: {  	v2 =	vor.u32 $0x20, v0;
	[sflag:s28] =	ssyncset.done $0x0  }
0xe: {  	v3 =	vor.u32 $0x21, v0;
	[sflag:s28] =	ssyncadd.s32 $0xFFFFFC00  }
0xf: {  	v4 =	vld.idx.msk [tilespmem:v0+s3+$0x0], $0xffff  }
0x10: {  	v21 =	vor.u32 $0x40, v0;
	v26 =	vld.idx.msk [tilespmem:v1+s3+$0x0], $0xffff  }
0x11: {  	v5 =	vor.u32 $0x41, v0;
	v7 =	vld [tilespmem:$0x800]  }
0x12: {  	v6 =	vor.u32 $0x60, v0;
	v50 =	vld.idx.msk [tilespmem:v2+s3+$0x0], $0xffff  }
0x13: {  	v10 =	vor.u32 $0x61, v0;
	v44 =	vld.idx.msk [tilespmem:v3+s3+$0x0], $0xffff  }
0x14: {  	v2 =	vld [tilespmem:$0x810]  }
0x15: {  	v22 =	vor.u32 $0x80, v0;
	v43 =	vld.idx.msk [tilespmem:v21+s3+$0x0], $0xffff  }
0x16: {  	v12 =	vor.u32 $0x81, v0;
	v42 =	vld.idx.msk [tilespmem:v5+s3+$0x0], $0xffff  }
0x17: {  	v41 =	vld.idx.msk [tilespmem:v6+s3+$0x0], $0xffff  }
0x18: {  	v23 =	vor.u32 $0xA0, v0;
	v39 =	vld.idx.msk [tilespmem:v10+s3+$0x0], $0xffff  }
0x19: {  	v24 =	vor.u32 $0xA1, v0;
	v57 =	vld [tilespmem:$0x830]  }
0x1a: {  	v37 =	vld.idx.msk [tilespmem:v22+s3+$0x0], $0xffff  }
0x1b: {  	v25 =	vor.u32 $0xC0, v0;
	v33 =	vld.idx.msk [tilespmem:v12+s3+$0x0], $0xffff  }
0x1c: {  	v13 =	vor.u32 $0xC1, v0;
	v58 =	vld [tilespmem:$0x840]  }
0x1d: {  	v15 =	vor.u32 $0xE0, v0;
	v29 =	vld.idx.msk [tilespmem:v23+s3+$0x0], $0xffff  }
0x1e: {  	v30 =	vor.u32 $0xE1, v0;
	v18 =	vld.idx.msk [tilespmem:v24+s3+$0x0], $0xffff  }
0x1f: {  	v16 =	vor.u32 $0x100, v0;
	v59 =	vld [tilespmem:$0x850]  }
0x20: {  	v31 =	vor.u32 $0x101, v0;
	v25 =	vld.idx.msk [tilespmem:v25+s3+$0x0], $0xffff  }
0x21: {  	v32 =	vor.u32 $0x120, v0;
	v24 =	vld.idx.msk [tilespmem:v13+s3+$0x0], $0xffff  }
0x22: {  	v34 =	vor.u32 $0x121, v0;
	v23 =	vld.idx.msk [tilespmem:v15+s3+$0x0], $0xffff  }
0x23: {  	v35 =	vor.u32 $0x140, v0;
	v22 =	vld.idx.msk [tilespmem:v30+s3+$0x0], $0xffff  }
0x24: {  	v36 =	vor.u32 $0x141, v0;
	v56 =	vld.idx.msk [tilespmem:v16+s3+$0x0], $0xffff  }
0x25: {  	v38 =	vor.u32 $0x160, v0;
	v19 =	vld.idx.msk [tilespmem:v31+s3+$0x0], $0xffff  }
0x26: {  	v40 =	vor.u32 $0x161, v0;
	v14 =	vld.idx.msk [tilespmem:v32+s3+$0x0], $0xffff  }
0x27: {  	v45 =	vor.u32 $0x180, v0;
	v11 =	vld.idx.msk [tilespmem:v34+s3+$0x0], $0xffff  }
0x28: {  	v46 =	vor.u32 $0x181, v0;
	v8 =	vld.idx.msk [tilespmem:v35+s3+$0x0], $0xffff  }
0x29: {  	v47 =	vor.u32 $0x1A0, v0;
	v5 =	vld.idx.msk [tilespmem:v36+s3+$0x0], $0xffff  }
0x2a: {  	v48 =	vor.u32 $0x1A1, v0;
	v6 =	vld.idx.msk [tilespmem:v38+s3+$0x0], $0xffff  }
0x2b: {  	v49 =	vor.u32 $0x1C0, v0;
	v3 =	vld.idx.msk [tilespmem:v40+s3+$0x0], $0xffff  }
0x2c: {  	v51 =	vor.u32 $0x1C1, v0;
	v17 =	vld.idx.msk [tilespmem:v45+s3+$0x0], $0xffff  }
0x2d: {  	v52 =	vor.u32 $0x1E0, v0;
	v9 =	vld.idx.msk [tilespmem:v46+s3+$0x0], $0xffff  }
0x2e: {  	v53 =	vor.u32 $0x1E1, v0;
	v31 =	vld.idx.msk [tilespmem:v47+s3+$0x0], $0xffff  }
0x2f: {  	v54 =	vor.u32 $0x200, v0;
	v20 =	vld.idx.msk [tilespmem:v48+s3+$0x0], $0xffff  }
0x30: {  	v55 =	vor.u32 $0x201, v0;
	v32 =	vld.idx.msk [tilespmem:v49+s3+$0x0], $0xffff  }
0x31: {  	v60 =	vor.u32 $0x220, v0;
	v21 =	vld.idx.msk [tilespmem:v51+s3+$0x0], $0xffff  }
0x32: {  	v61 =	vor.u32 $0x221, v0;
	v35 =	vld.idx.msk [tilespmem:v52+s3+$0x0], $0xffff  }
0x33: {  	v62 =	vor.u32 $0x240, v0;
	v34 =	vld.idx.msk [tilespmem:v53+s3+$0x0], $0xffff  }
0x34: {  	v63 =	vor.u32 $0x241, v0;
	v38 =	vld.idx.msk [tilespmem:v54+s3+$0x0], $0xffff  }
0x35: {  	v27 =	vor.u32 $0x280, v0;
	v36 =	vld.idx.msk [tilespmem:v55+s3+$0x0], $0xffff  }
0x36: {  	v28 =	vor.u32 $0x281, v0;
	v40 =	vld.idx.msk [tilespmem:v60+s3+$0x0], $0xffff  }
0x37: {  	v10 =	vld.idx.msk [tilespmem:v61+s3+$0x0], $0xffff  }
0x38: {  	v16 =	vld.idx.msk [tilespmem:v62+s3+$0x0], $0xffff  }
0x39: {  	v1 =	vor.u32 $0x260, v0;
	v12 =	vld.idx.msk [tilespmem:v63+s3+$0x0], $0xffff  }
0x3a: {  	v45 =	vor.u32 $0x261, v0;
	v51 =	vld.idx.msk [tilespmem:v27+s3+$0x0], $0xffff  }
0x3b: {  	v30 =	vor.u32 $0x2A0, v0;
	v53 =	vld.idx.msk [tilespmem:v28+s3+$0x0], $0xffff  }
0x3c: {  	v47 =	vor.u32 $0x2A1, v0;
	v28 =	vld [tilespmem:$0x930]  }
0x3d: {  	v49 =	vor.u32 $0x2C0, v0;
	[tilespmem:$0x1FE90] =	vst v4;
	v4 =	vld [tilespmem:$0x820]  }
0x3e: {  	v52 =	vor.u32 $0x2C1, v0;
	v46 =	vld.idx.msk [tilespmem:v1+s3+$0x0], $0xffff  }
0x3f: {  	v54 =	vor.u32 $0x2E0, v0;
	v48 =	vld.idx.msk [tilespmem:v45+s3+$0x0], $0xffff  }
0x40: {  	v60 =	vor.u32 $0x2E1, v0;
	v55 =	vld.idx.msk [tilespmem:v30+s3+$0x0], $0xffff  }
0x41: {  	v61 =	vor.u32 $0x300, v0;
	v45 =	vld.idx.msk [tilespmem:v47+s3+$0x0], $0xffff  }
0x42: {  	v63 =	vor.u32 $0x301, v0;
	v62 =	vld.idx.msk [tilespmem:v49+s3+$0x0], $0xffff  }
0x43: {  	v27 =	vld.idx.msk [tilespmem:v52+s3+$0x0], $0xffff  }
0x44: {  	v47 =	vld.idx.msk [tilespmem:v54+s3+$0x0], $0xffff  }
0x45: {  	v52 =	vld.idx.msk [tilespmem:v60+s3+$0x0], $0xffff  }
0x46: {  	[tilespmem:$0x1FEC0] =	vst v51;
	v51 =	vld.idx.msk [tilespmem:v61+s3+$0x0], $0xffff  }
0x47: {  	v54 =	vld.idx.msk [tilespmem:v63+s3+$0x0], $0xffff  }
0x48: {  	vm4 =	vgt.f32 v42, v43;
	v43 =	vld [tilespmem:$0x950]  }
0x49: {  	vm10 =	vgt.f32 v33, v37;
	v37 =	vld [tilespmem:$0x960]  }
0x4a: {  	vm6 =	vgt.f32 v19, v56;
	v56 =	vld [tilespmem:$0x970]  }
0x4b: {  	vm7 =	vgt.f32 v22, v23;
	v23 =	vld [tilespmem:$0x980]  }
0x4c: {  	[tilespmem:$0x1FFB0] =	vst v2;
	v49 =	vor.u32 $0x340, v0;
	vm5 =	vgt.f32 v11, v14;
	v11 =	vsub.s32 $0x1, v2;
	v2 =	vld [tilespmem:$0x990]  }
0x4d: {  	[tilespmem:$0x1FED0] =	vst v53;
	v53 =	vor.u32 $0x341, v0;
	vm9 =	vgt.f32 v18, v29;
	v18 =	vld [tilespmem:$0x9A0]  }
0x4e: {  	v63 =	vor.u32 $0x380, v0;
	vm8 =	vgt.f32 v24, v25;
	v24 =	vld [tilespmem:$0x9C0]  }
0x4f: {  	v25 =	vld [tilespmem:$0x9D0]  }
0x50: {  	[tilespmem:$0x1FF80] =	vst v28;
	v28 =	vld [tilespmem:$0x1FE90]  }
0x51: {  	v30 =	vld.idx.msk [tilespmem:v49+s3+$0x0], $0xffff  }
0x52: {  	v13 =	vld.idx.msk [tilespmem:v53+s3+$0x0], $0xffff  }
0x53: {  	[tilespmem:$0x1FF00] =	vst v27;
	v27 =	vld.idx.msk [tilespmem:v63+s3+$0x0], $0xffff  }
0x54: {  	[tilespmem:$0x1FF30] =	vst v54;
	v54 =	vld [tilespmem:$0x870]  }
0x55: {  	v1 =	vor.u32 $0x381, v0;
	v53 =	vld [tilespmem:$0x880]  }
0x56: {  	v14 =	vor.u32 $0x3C0, v0;
	v63 =	vld [tilespmem:$0x890]  }
0x57: {  	v29 =	vor.u32 $0x3C1, v0;
	[tilespmem:$0x1FF20] =	vst v51;
	v51 =	vld [tilespmem:$0x8D0]  }
0x58: {  	v49 =	vld [tilespmem:$0x8E0]  }
0x59: {  	[tilespmem:$0x1FF10] =	vst v47;
	v47 =	vld [tilespmem:$0x900]  }
0x5a: {  	v1 =	vld.idx.msk [tilespmem:v1+s3+$0x0], $0xffff  }
0x5b: {  	vm3 =	vgt.f32 v5, v8;
	v5 =	vld.idx.msk [tilespmem:v14+s3+$0x0], $0xffff  }
0x5c: {  	vm1 =	vgt.f32 v44, v50;
	v8 =	vsub.s32 $0x1, v7;
	v50 =	vmov v7;
	v7 =	vld.idx.msk [tilespmem:v29+s3+$0x0], $0xffff  }
0x5d: {  	vm11 =	vgt.f32 v39, v41;
	v44 =	vor.u32 $0x3A1, v0;
	v33 =	vnsel vm1, $0x0, v11;
	v29 =	vld [tilespmem:$0x9E0]  }
0x5e: {  	[tilespmem:$0x1FEA0] =	vst v46;
	v46 =	vor.u32 $0x320, v0;
	v41 =	vsub.s32 $0x1, v4;
	vm0 =	vgt.f32 v26, v28;
	v28 =	vld [tilespmem:$0x940]  }
0x5f: {  	v14 =	vsub.s32 $0x1, v59;
	v42 =	vnsel vm4, $0x0, v41;
	vm4 =	vgt.f32 v20, v31;
	v31 =	vld [tilespmem:$0x9F0]  }
0x60: {  	[tilespmem:$0x1FEB0] =	vst v48;
	v48 =	vor.u32 $0x321, v0;
	v19 =	vnsel vm9, $0x0, v14;
	vm9 =	vgt.f32 v36, v38;
	v38 =	vld [tilespmem:$0x1FEA0]  }
0x61: {  	[tilespmem:$0x1FEE0] =	vst v55;
	v55 =	vor.u32 $0x360, v0;
	v22 =	vnsel vm0, $0x0, v8;
	vm0 =	vgt.f32 v21, v32;
	v32 =	vld [tilespmem:$0xA00]  }
0x62: {  	v39 =	vadd.s32 v22, v33;
	v33 =	vld.idx.msk [tilespmem:v44+s3+$0x0], $0xffff  }
0x63: {  	v22 =	vld [tilespmem:$0x9B0]  }
0x64: {  	v60 =	vld.idx.msk [tilespmem:v46+s3+$0x0], $0xffff  }
0x65: {  	[tilespmem:$0x1FEF0] =	vst v62;
	v62 =	vld.idx.msk [tilespmem:v48+s3+$0x0], $0xffff  }
0x66: {  	vm1 =	vgt.f32 v9, v17;
	v17 =	vor.u32 $0x3E1, v0;
	v15 =	vld.idx.msk [tilespmem:v55+s3+$0x0], $0xffff  }
0x67: {  	v61 =	vor.u32 $0x361, v0;
	v55 =	vld [tilespmem:$0x860]  }
0x68: {  	vm2 =	vgt.f32 v3, v6;
	v11 =	vsub.s32 $0x1, v58;
	[tilespmem:$0x1FFC0] =	vst v4;
	v14 =	vor.u32 $0x441, v0;
	v48 =	vld [tilespmem:$0x8F0]  }
0x69: {  	[tilespmem:$0x1FFA0] =	vst v43;
	v43 =	vsub.s32 $0x1, v57;
	v4 =	vnsel vm10, $0x0, v11;
	v21 =	vor.u32 $0x400, v0;
	v46 =	vld [tilespmem:$0x910]  }
0x6a: {  	v9 =	vnsel vm11, $0x0, v43;
	v44 =	vor.u32 $0x3E0, v0;
	v3 =	vadd.s32 v42, v39;
	[tilespmem:$0x1FF70] =	vst v27;
	v27 =	vld [tilespmem:$0x920]  }
0x6b: {  	vm10 =	vgt.f32 v34, v35;
	v3 =	vadd.s32 v9, v3;
	v35 =	vsub.s32 $0x1, v54;
	v9 =	vld.idx.msk [tilespmem:v17+s3+$0x0], $0xffff  }
0x6c: {  	v41 =	vnsel vm7, $0x0, v35;
	vm7 =	vgt.f32 v10, v40;
	v40 =	vld [tilespmem:$0x1FEC0]  }
0x6d: {  	v14 =	vld.idx.msk [tilespmem:v14+s3+$0x0], $0xffff  }
0x6e: {  	v6 =	vld.idx.msk [tilespmem:v21+s3+$0x0], $0xffff  }
0x6f: {  	v17 =	vor.u32 $0x460, v0;
	[tilespmem:$0x1FF90] =	vst v28;
	v8 =	vld.idx.msk [tilespmem:v44+s3+$0x0], $0xffff  }
0x70: {  	v28 =	vor.u32 $0x3A0, v0;
	[tilespmem:$0x1FF60] =	vst v15;
	v15 =	vld.idx.msk [tilespmem:v61+s3+$0x0], $0xffff  }
0x71: {  	v39 =	vor.u32 $0x401, v0;
	[tilespmem:$0x1FF50] =	vst v62;
	v62 =	vld [tilespmem:$0x8A0]  }
0x72: {  	v61 =	vld [tilespmem:$0x8B0]  }
0x73: {  	[tilespmem:$0x1FF40] =	vst v60;
	v60 =	vld [tilespmem:$0x8C0]  }
0x74: {  	v17 =	vld.idx.msk [tilespmem:v17+s3+$0x0], $0xffff  }
0x75: {  	v21 =	vor.u32 $0x421, v0;
	v34 =	vsub.s32 $0x1, v55;
	v26 =	vld.idx.msk [tilespmem:v28+s3+$0x0], $0xffff  }
0x76: {  	v3 =	vadd.s32 v4, v3;
	v4 =	vnsel vm8, $0x0, v34;
	vm8 =	vgt.f32 v12, v16;
	v12 =	vld.idx.msk [tilespmem:v39+s3+$0x0], $0xffff  }
0x77: {  	v39 =	vld [tilespmem:$0x1FEB0]  }
0x78: {  	v42 =	vsub.s32 $0x1, v53;
	v3 =	vadd.s32 v19, v3;
	v28 =	vld [tilespmem:$0x1FF10]  }
0x79: {  	v16 =	vor.u32 $0x440, v0;
	v3 =	vadd.s32 v4, v3;
	v4 =	vnsel vm6, $0x0, v42;
	v42 =	vld [tilespmem:$0x1FEE0]  }
0x7a: {  	v44 =	vor.u32 $0x420, v0;
	v10 =	vld.idx.msk [tilespmem:v21+s3+$0x0], $0xffff  }
0x7b: {  	v21 =	vld [tilespmem:$0x1FF60]  }
0x7c: {  	v43 =	vsub.s32 $0x1, v63;
	v3 =	vadd.s32 v41, v3;
	v41 =	vld [tilespmem:$0x1FED0];
	v34 =	vsub.s32 $0x1, v62  }
0x7d: {  	v20 =	vnsel vm5, $0x0, v43;
	v3 =	vadd.s32 v4, v3;
	v4 =	vnsel vm3, $0x0, v34;
	v34 =	vld [tilespmem:$0xA10]  }
0x7e: {  	v3 =	vadd.s32 v20, v3;
	v16 =	vld.idx.msk [tilespmem:v16+s3+$0x0], $0xffff  }
0x7f: {  	v3 =	vadd.s32 v4, v3;
	v4 =	vld.idx.msk [tilespmem:v44+s3+$0x0], $0xffff  }
0x80: {  	v19 =	vsub.s32 $0x1, v46;
	v35 =	vsub.s32 $0x1, v61;
	v44 =	vld [tilespmem:$0x1FEF0]  }
0x81: {  	v43 =	vsub.s32 $0x1, v60;
	v36 =	vnsel vm2, $0x0, v35;
	vm2 =	vgt.f32 v45, v42;
	v45 =	vld [tilespmem:$0x1FF00]  }
0x82: {  	vm14 =	vgt.f32 v39, v38;
	v11 =	vnsel vm1, $0x0, v43;
	vm3 =	vgt.f32 v52, v28;
	v38 =	vld [tilespmem:$0x1FF30]  }
0x83: {  	v52 =	vsub.s32 $0x1, v48;
	v42 =	vor.u32 $0x480, v0;
	vm11 =	vgt.f32 v15, v21;
	v21 =	vld [tilespmem:$0xA40]  }
0x84: {  	v20 =	vnsel vm10, $0x0, v52;
	vm10 =	vgt.f32 v13, v30;
	v13 =	vnsel vm7, $0x0, v19;
	v19 =	vld [tilespmem:$0x1FF90]  }
0x85: {  	v35 =	vsub.s32 $0x1, v51;
	v30 =	vor.u32 $0x4C0, v0;
	vm13 =	vgt.f32 v41, v40;
	v40 =	vld [tilespmem:$0x1FF40]  }
0x86: {  	v39 =	vsub.s32 $0x1, v49;
	v3 =	vadd.s32 v36, v3;
	vm1 =	vgt.f32 v45, v44;
	v44 =	vld [tilespmem:$0x1FF50]  }
0x87: {  	v41 =	vor.u32 $0x461, v0;
	v36 =	vld [tilespmem:$0x1FF20];
	v3 =	vadd.s32 v11, v3;
	v11 =	vnsel vm4, $0x0, v35  }
0x88: {  	v15 =	vor.u32 $0x4E1, v0;
	v35 =	vld [tilespmem:$0xA20];
	v3 =	vadd.s32 v11, v3;
	v45 =	vnsel vm0, $0x0, v39  }
0x89: {  	v11 =	vor.u32 $0x4A1, v0;
	v39 =	vld.idx.msk [tilespmem:v42+s3+$0x0], $0xffff;
	v3 =	vadd.s32 v45, v3  }
0x8a: {  	vm12 =	vgt.f32 v33, v26;
	v33 =	vld.idx.msk [tilespmem:v30+s3+$0x0], $0xffff;
	v3 =	vadd.s32 v20, v3;
	v20 =	vor.u32 $0x4E0, v0  }
0x8b: {  	v28 =	vsub.s32 $0x1, v47;
	v45 =	vld [tilespmem:$0x1FF70];
	vm6 =	vgt.f32 v44, v40;
	v44 =	vor.u32 $0x481, v0  }
0x8c: {  	vm5 =	vgt.f32 v38, v36;
	v41 =	vld.idx.msk [tilespmem:v41+s3+$0x0], $0xffff;
	v38 =	vnsel vm9, $0x0, v28;
	v28 =	vsub.s32 $0x1, v27  }
0x8d: {  	vm7 =	vgt.f32 v7, v5;
	v5 =	vnsel vm8, $0x0, v28;
	vm8 =	vgt.f32 v12, v6;
	v12 =	vld.idx.msk [tilespmem:v15+s3+$0x0], $0xffff  }
0x8e: {  	v43 =	vor.u32 $0x4A0, v0;
	v7 =	vld.idx.msk [tilespmem:v11+s3+$0x0], $0xffff  }
0x8f: {  	v42 =	vor.u32 $0x520, v0;
	vm9 =	vgt.f32 v9, v8;
	v8 =	vld.idx.msk [tilespmem:v20+s3+$0x0], $0xffff  }
0x90: {  	v11 =	vor.u32 $0x500, v0;
	vm4 =	vgt.f32 v1, v45;
	v1 =	vld.idx.msk [tilespmem:v44+s3+$0x0], $0xffff  }
0x91: {  	v40 =	vor.u32 $0x501, v0;
	v44 =	vld [tilespmem:$0x1FF80]  }
0x92: {  	v26 =	vor.u32 $0x521, v0;
	v52 =	vor.u32 $0x4C1, v0;
	v3 =	vadd.s32 v38, v3;
	v20 =	vld [tilespmem:$0x1FFA0]  }
0x93: {  	vm0 =	vgt.f32 v10, v4;
	v15 =	vor.u32 $0x5C0, v0;
	v38 =	vld.idx.msk [tilespmem:v43+s3+$0x0], $0xffff;
	v3 =	vadd.s32 v13, v3  }
0x94: {  	v43 =	vor.u32 $0x540, v0;
	v3 =	vadd.s32 v5, v3;
	v5 =	vld.idx.msk [tilespmem:v42+s3+$0x0], $0xffff;
	v45 =	vmovc v27;
	v27 =	vsub.s32 $0x1, v19  }
0x95: {  	v13 =	vsub.s32 $0x1, v23;
	v42 =	vor.u32 $0x561, v0;
	v28 =	vnsel vm13, $0x0, v27;
	v6 =	vld.idx.msk [tilespmem:v11+s3+$0x0], $0xffff  }
0x96: {  	v11 =	vor.u32 $0x541, v0;
	v10 =	vld.idx.msk [tilespmem:v40+s3+$0x0], $0xffff;
	v40 =	vor.u32 $0x560, v0;
	v30 =	vsub.s32 $0x1, v44  }
0x97: {  	v9 =	vld.idx.msk [tilespmem:v52+s3+$0x0], $0xffff;
	vm13 =	vgt.f32 v12, v8;
	v52 =	vnsel vm14, $0x0, v30;
	v30 =	vsub.s32 $0x1, v20  }
0x98: {  	v3 =	vadd.s32 v52, v3;
	v4 =	vnsel vm2, $0x0, v30;
	vm2 =	vgt.f32 v14, v16;
	v16 =	vld.idx.msk [tilespmem:v26+s3+$0x0], $0xffff  }
0x99: {  	v52 =	vsub.s32 $0x1, v37;
	v26 =	vor.u32 $0x580, v0;
	v14 =	vld.idx.msk [tilespmem:v43+s3+$0x0], $0xffff;
	v43 =	vor.u32 $0x581, v0  }
0x9a: {  	v36 =	vld [tilespmem:$0xA30];
	v3 =	vadd.s32 v28, v3;
	v27 =	vnsel vm1, $0x0, v52;
	vm1 =	vgt.f32 v41, v17  }
0x9b: {  	v12 =	vld.idx.msk [tilespmem:v15+s3+$0x0], $0xffff;
	v28 =	vsub.s32 $0x1, v56;
	v41 =	vor.u32 $0x5A0, v0;
	v3 =	vadd.s32 v4, v3  }
0x9c: {  	v11 =	vld.idx.msk [tilespmem:v11+s3+$0x0], $0xffff;
	v52 =	vor.u32 $0x5A1, v0;
	v30 =	vnsel vm3, $0x0, v28;
	v3 =	vadd.s32 v27, v3  }
0x9d: {  	v17 =	vld.idx.msk [tilespmem:v40+s3+$0x0], $0xffff;
	vm3 =	vgt.f32 v1, v39;
	v28 =	vsub.s32 $0x1, v2;
	v3 =	vadd.s32 v30, v3  }
0x9e: {  	v39 =	vld.idx.msk [tilespmem:v42+s3+$0x0], $0xffff;
	v30 =	vnsel vm6, $0x0, v28;
	vm6 =	vgt.f32 v9, v33;
	v33 =	vor.u32 $0x601, v0  }
0x9f: {  	v1 =	vnsel vm5, $0x0, v13;
	v4 =	vld.idx.msk [tilespmem:v26+s3+$0x0], $0xffff;
	v26 =	vor.u32 $0x5C1, v0  }
0xa0: {  	vm5 =	vgt.f32 v7, v38;
	v27 =	vsub.s32 $0x1, v18;
	v38 =	vld.idx.msk [tilespmem:v43+s3+$0x0], $0xffff;
	v43 =	vor.u32 $0x5E0, v0  }
0xa1: {  	v8 =	vnsel vm10, $0x0, v27;
	v7 =	vld.idx.msk [tilespmem:v41+s3+$0x0], $0xffff;
	v41 =	vor.u32 $0x5E1, v0  }
0xa2: {  	vm10 =	vgt.f32 v10, v6;
	v10 =	vor.u32 $0x620, v0;
	v1 =	vadd.s32 v1, v3;
	v3 =	vld.idx.msk [tilespmem:v52+s3+$0x0], $0xffff  }
0xa3: {  	vm15 =	vgt.f32 v16, v5;
	v16 =	vor.u32 $0x621, v0;
	v33 =	vld.idx.msk [tilespmem:v33+s3+$0x0], $0xffff  }
0xa4: {  	v52 =	vor.u32 $0x600, v0;
	v6 =	vld.idx.msk [tilespmem:v26+s3+$0x0], $0xffff  }
0xa5: {  	v15 =	vimm.s32 $0x0;
	v28 =	vsub.s32 $0x1, v22;
	v5 =	vld.idx.msk [tilespmem:v43+s3+$0x0], $0xffff  }
0xa6: {  	vm14 =	vgt.f32 v11, v14;
	v26 =	vnsel vm11, $0x0, v28;
	v28 =	vor.u32 $0x661, v0;
	v11 =	vld.idx.msk [tilespmem:v41+s3+$0x0], $0xffff  }
0xa7: {  	v14 =	vor.u32 $0x640, v0;
	v1 =	vadd.s32 v30, v1;
	v30 =	vsub.s32 $0x1, v24;
	v10 =	vld.idx.msk [tilespmem:v10+s3+$0x0], $0xffff  }
0xa8: {  	v13 =	vsub.s32 $0x1, v25;
	v40 =	vnsel vm4, $0x0, v30;
	v1 =	vadd.s32 v8, v1;
	v16 =	vld.idx.msk [tilespmem:v16+s3+$0x0], $0xffff  }
0xa9: {  	v8 =	vnsel vm12, $0x0, v13;
	v30 =	vsub.s32 $0x1, v31;
	v9 =	vld.idx.msk [tilespmem:v52+s3+$0x0], $0xffff;
	v52 =	vor.u32 $0x641, v0  }
0xaa: {  	vm11 =	vgt.f32 v39, v17;
	vm4 =	vgt.f32 v38, v4;
	v43 =	vimm.s32 $0x0;
	v38 =	vld [tilespmem:$0xA50]  }
0xab: {  	v17 =	vnsel vm9, $0x0, v30;
	vm9 =	vgt.f32 v11, v5;
	v5 =	vld.idx.msk [tilespmem:v28+s3+$0x0], $0xffff;
	v28 =	vor.u32 $0x6A0, v0  }
0xac: {  	v4 =	vsel vm4, $0xFFFFFFFF, v15;
	vm4 =	vgt.f32 v3, v7;
	v3 =	vld.idx.msk [tilespmem:v14+s3+$0x0], $0xffff;
	vm12 =	vgt.f32 v6, v12  }
0xad: {  	v39 =	vor.u32 $0x660, v0;
	v1 =	vadd.s32 v26, v1;
	v26 =	vld [tilespmem:$0xA80];
	v6 =	vsel vm12, $0xFFFFFFFF, v43  }
0xae: {  	v42 =	vsub.s32 $0x1, v32;
	v7 =	vor.u32 $0x680, v0;
	[tilespmem:$0x1FFE0] =	vst v6;
	v6 =	vld.idx.msk [tilespmem:v52+s3+$0x0], $0xffff  }
0xaf: {  	v14 =	vnsel vm8, $0x0, v42;
	vm8 =	vgt.f32 v33, v9;
	v9 =	vor.u32 $0x6A1, v0;
	v43 =	vld [tilespmem:$0x1FFB0]  }
0xb0: {  	v27 =	vsub.s32 $0x1, v29;
	v13 =	vor.u32 $0x6C1, v0;
	v52 =	vor.u32 $0x681, v0;
	v11 =	vld.idx.msk [tilespmem:v28+s3+$0x0], $0xffff  }
0xb1: {  	v30 =	vsub.s32 $0x1, v35;
	[tilespmem:$0x1FFD0] =	vst v4;
	v4 =	vnsel vm7, $0x0, v27;
	v27 =	vsub.s32 $0x1, v34;
	v28 =	vld [tilespmem:$0x1FFC0]  }
0xb2: {  	v41 =	vnsel vm0, $0x0, v27;
	v27 =	vadd.s32 v40, v1;
	v40 =	vor.u32 $0x7A0, v0;
	v42 =	vld.idx.msk [tilespmem:v39+s3+$0x0], $0xffff  }
0xb3: {  	vm0 =	vgt.f32 v16, v10;
	v39 =	vimm.s32 $0x0;
	v7 =	vld.idx.msk [tilespmem:v7+s3+$0x0], $0xffff;
	vm12 =	vgt.f32 v6, v3  }
0xb4: {  	v10 =	vnsel vm2, $0x0, v30;
	v9 =	vld.idx.msk [tilespmem:v9+s3+$0x0], $0xffff;
	v6 =	vor.u32 $0x6C0, v0;
	v3 =	vsel vm12, $0xFFFFFFFF, v39  }
0xb5: {  	v30 =	vsub.s32 $0x1, v21;
	v33 =	vsub.s32 $0x1, v36;
	[tilespmem:$0x1FFF0] =	vst v3;
	v3 =	vld.idx.msk [tilespmem:v52+s3+$0x0], $0xffff;
	v52 =	vadd.s32 v43, v50  }
0xb6: {  	v16 =	vnsel vm3, $0x0, v30;
	v30 =	vsub.s32 $0x1, v38;
	v39 =	vld [tilespmem:$0xA60];
	v1 =	vadd.s32 v28, v52  }
0xb7: {  	v12 =	vnsel vm1, $0x0, v33;
	vm2 =	vgt.f32 v5, v42;
	v50 =	vadd.s32 v57, v1;
	v1 =	vld [tilespmem:$0xA70]  }
0xb8: {  	v42 =	vor.u32 $0x6E1, v0;
	v52 =	vor.u32 $0x6E0, v0;
	v57 =	vadd.s32 v8, v27;
	v27 =	vld [tilespmem:$0xA90]  }
0xb9: {  	v43 =	vor.u32 $0x700, v0;
	v33 =	vadd.s32 v58, v50;
	v58 =	vld.idx.msk [tilespmem:v6+s3+$0x0], $0xffff;
	v50 =	vor.u32 $0x701, v0  }
0xba: {  	vm1 =	vgt.f32 v3, v7;
	v28 =	vadd.s32 v59, v33;
	v33 =	vld.idx.msk [tilespmem:v13+s3+$0x0], $0xffff;
	v7 =	vnsel vm5, $0x0, v30  }
0xbb: {  	vm5 =	vgt.f32 v9, v11;
	v3 =	vadd.s32 v4, v57;
	v30 =	vld [tilespmem:$0xAA0];
	v6 =	vadd.s32 v55, v28  }
0xbc: {  	v57 =	vor.u32 $0x721, v0;
	v3 =	vadd.s32 v17, v3;
	v28 =	vld [tilespmem:$0xAB0];
	v6 =	vadd.s32 v54, v6  }
0xbd: {  	v55 =	vor.u32 $0x720, v0;
	v52 =	vld.idx.msk [tilespmem:v52+s3+$0x0], $0xffff;
	v3 =	vadd.s32 v14, v3;
	v6 =	vadd.s32 v53, v6  }
0xbe: {  	v54 =	vld.idx.msk [tilespmem:v42+s3+$0x0], $0xffff;
	v53 =	vsub.s32 $0x1, v39;
	v59 =	vsub.s32 $0x1, v1;
	v6 =	vadd.s32 v63, v6  }
0xbf: {  	v3 =	vadd.s32 v41, v3;
	v41 =	vld [tilespmem:$0xAC0];
	v9 =	vnsel vm6, $0x0, v53;
	v6 =	vadd.s32 v62, v6  }
0xc0: {  	v8 =	vnsel vm13, $0x0, v59;
	vm7 =	vgt.f32 v33, v58;
	v58 =	vld.idx.msk [tilespmem:v43+s3+$0x0], $0xffff;
	v6 =	vadd.s32 v61, v6  }
0xc1: {  	v63 =	vor.u32 $0x741, v0;
	v53 =	vor.u32 $0x760, v0;
	v61 =	vld.idx.msk [tilespmem:v50+s3+$0x0], $0xffff;
	v6 =	vadd.s32 v60, v6  }
0xc2: {  	v3 =	vadd.s32 v10, v3;
	v62 =	vor.u32 $0x740, v0;
	v50 =	vld.idx.msk [tilespmem:v55+s3+$0x0], $0xffff;
	v6 =	vadd.s32 v51, v6  }
0xc3: {  	vm12 =	vgt.f32 v54, v52;
	v52 =	vld.idx.msk [tilespmem:v57+s3+$0x0], $0xffff;
	v57 =	vsub.s32 $0x1, v27;
	v6 =	vadd.s32 v49, v6  }
0xc4: {  	v51 =	vsub.s32 $0x1, v26;
	v13 =	vnsel vm15, $0x0, v57;
	v57 =	vld [tilespmem:$0xB00];
	v6 =	vadd.s32 v48, v6  }
0xc5: {  	v54 =	vor.u32 $0x761, v0;
	v11 =	vnsel vm10, $0x0, v51;
	v51 =	vld.idx.msk [tilespmem:v40+s3+$0x0], $0xffff;
	v6 =	vadd.s32 v47, v6  }
0xc6: {  	v59 =	vor.u32 $0x780, v0;
	v3 =	vadd.s32 v12, v3;
	v40 =	vld [tilespmem:$0xB70];
	v6 =	vadd.s32 v46, v6  }
0xc7: {  	v3 =	vadd.s32 v16, v3;
	v60 =	vor.u32 $0x781, v0;
	v55 =	vld.idx.msk [tilespmem:v62+s3+$0x0], $0xffff;
	v6 =	vadd.s32 v45, v6  }
0xc8: {  	v3 =	vadd.s32 v7, v3;
	vm13 =	vgt.f32 v61, v58;
	v58 =	vld.idx.msk [tilespmem:v63+s3+$0x0], $0xffff;
	v6 =	vadd.s32 v44, v6  }
0xc9: {  	v3 =	vadd.s32 v9, v3;
	v61 =	vld.idx.msk [tilespmem:v53+s3+$0x0], $0xffff;
	v6 =	vadd.s32 v19, v6  }
0xca: {  	v3 =	vadd.s32 v8, v3;
	v63 =	vld.idx.msk [tilespmem:v54+s3+$0x0], $0xffff;
	v6 =	vadd.s32 v20, v6  }
0xcb: {  	v62 =	vsub.s32 $0x1, v30;
	v3 =	vadd.s32 v11, v3;
	v46 =	vld.idx.msk [tilespmem:v59+s3+$0x0], $0xffff;
	v6 =	vadd.s32 v37, v6  }
0xcc: {  	v10 =	vnsel vm14, $0x0, v62;
	v47 =	vsub.s32 $0x1, v28;
	v48 =	vld.idx.msk [tilespmem:v60+s3+$0x0], $0xffff;
	v45 =	vadd.s32 v56, v6  }
0xcd: {  	v3 =	vadd.s32 v13, v3;
	vm15 =	vgt.f32 v52, v50;
	v54 =	vld [tilespmem:$0x1FFD0];
	v5 =	vadd.s32 v23, v45  }
0xce: {  	v49 =	vnsel vm11, $0x0, v47;
	v50 =	vld [tilespmem:$0xAE0];
	v3 =	vadd.s32 v10, v3;
	v2 =	vadd.s32 v2, v5  }
0xcf: {  	v43 =	vld [tilespmem:$0xAD0];
	v52 =	vsub.s32 $0x1, v41;
	v3 =	vadd.s32 v49, v3;
	v2 =	vadd.s32 v18, v2  }
0xd0: {  	v62 =	vsub.s32 $0x1, v57;
	v44 =	vor.u32 $0x7A1, v0;
	v2 =	vadd.s32 v22, v2  }
0xd1: {  	v47 =	vsub.s32 $0x1, v40;
	vm14 =	vgt.f32 v58, v55;
	v2 =	vadd.s32 v24, v2  }
0xd2: {  	v55 =	vld [tilespmem:$0xAF0];
	vm11 =	vgt.f32 v63, v61;
	vm6 =	vnez.u8 v54;
	v2 =	vadd.s32 v25, v2  }
0xd3: {  	vm10 =	vgt.f32 v48, v46;
	v58 =	vsub.s32 $0x1, v50;
	v61 =	vld [tilespmem:$0x1FFE0];
	v2 =	vadd.s32 v29, v2  }
0xd4: {  	v63 =	vld [tilespmem:$0xB20];
	v8 =	vnsel vm6, $0x0, v52;
	v56 =	vsub.s32 $0x1, v43;
	v2 =	vadd.s32 v31, v2  }
0xd5: {  	v48 =	vld [tilespmem:$0xBA0];
	v6 =	vnsel vm4, $0x0, v56;
	v3 =	vadd.s32 v8, v3;
	v2 =	vadd.s32 v32, v2  }
0xd6: {  	v52 =	vld [tilespmem:$0xBC0];
	v3 =	vadd.s32 v6, v3;
	v6 =	vnsel vm8, $0x0, v62;
	v2 =	vadd.s32 v34, v2  }
0xd7: {  	v53 =	vld.idx.msk [tilespmem:v44+s3+$0x0], $0xffff;
	v59 =	vsub.s32 $0x1, v55;
	v22 =	vor.u32 $0x7C0, v0;
	v2 =	vadd.s32 v35, v2  }
0xd8: {  	v60 =	vld [tilespmem:$0xB10];
	vm3 =	vnez.u8 v61;
	v7 =	vnsel vm9, $0x0, v59;
	v2 =	vadd.s32 v36, v2  }
0xd9: {  	v23 =	vld [tilespmem:$0xB30];
	v33 =	vsub.s32 $0x1, v63;
	v24 =	vor.u32 $0x7C1, v0;
	v2 =	vadd.s32 v21, v2  }
0xda: {  	v54 =	vsub.s32 $0x1, v48;
	v4 =	vnsel vm3, $0x0, v58;
	v29 =	vld [tilespmem:$0xB40];
	v2 =	vadd.s32 v38, v2  }
0xdb: {  	v59 =	vsub.s32 $0x1, v52;
	v3 =	vadd.s32 v4, v3;
	v32 =	vld [tilespmem:$0xB50];
	v2 =	vadd.s32 v39, v2  }
0xdc: {  	vm6 =	vgt.f32 v53, v51;
	v3 =	vadd.s32 v7, v3;
	v12 =	vld.idx.msk [tilespmem:v22+s3+$0x0], $0xffff;
	v1 =	vadd.s32 v1, v2  }
0xdd: {  	v25 =	vsub.s32 $0x1, v60;
	v3 =	vadd.s32 v6, v3;
	v35 =	vld [tilespmem:$0x1FFF0];
	v1 =	vadd.s32 v26, v1  }
0xde: {  	v31 =	vnsel vm0, $0x0, v25;
	v37 =	vld.idx.msk [tilespmem:v24+s3+$0x0], $0xffff;
	v36 =	vor.u32 $0x7E0, v0;
	v1 =	vadd.s32 v27, v1  }
0xdf: {  	v3 =	vadd.s32 v31, v3;
	v34 =	vld [tilespmem:$0xB60];
	v0 =	vor.u32 $0x7E1, v0;
	v1 =	vadd.s32 v30, v1  }
0xe0: {  	v38 =	vsub.s32 $0x1, v23;
	v42 =	vsub.s32 $0x1, v32;
	v1 =	vadd.s32 v28, v1  }
0xe1: {  	v39 =	vsub.s32 $0x1, v29;
	v13 =	vnsel vm2, $0x0, v38;
	v1 =	vadd.s32 v41, v1  }
0xe2: {  	v58 =	vld [tilespmem:$0xBF0];
	v44 =	vnsel vm5, $0x0, v42;
	vm8 =	vnez.u8 v35;
	v1 =	vadd.s32 v43, v1  }
0xe3: {  	vm9 =	vgt.f32 v37, v12;
	v6 =	vnsel vm8, $0x0, v33;
	v45 =	vld.idx.msk [tilespmem:v36+s3+$0x0], $0xffff;
	v1 =	vadd.s32 v50, v1  }
0xe4: {  	v46 =	vsub.s32 $0x1, v34;
	v3 =	vadd.s32 v6, v3;
	v41 =	vld [tilespmem:$0xB80];
	v1 =	vadd.s32 v55, v1  }
0xe5: {  	v16 =	vnsel vm1, $0x0, v39;
	v0 =	vld.idx.msk [tilespmem:v0+s3+$0x0], $0xffff;
	v3 =	vadd.s32 v13, v3;
	v1 =	vadd.s32 v57, v1  }
0xe6: {  	v5 =	vnsel vm7, $0x0, v46;
	v3 =	vadd.s32 v16, v3;
	v43 =	vld [tilespmem:$0xB90];
	v1 =	vadd.s32 v60, v1  }
0xe7: {  	v6 =	vnsel vm12, $0x0, v47;
	v3 =	vadd.s32 v44, v3;
	v1 =	vadd.s32 v63, v1  }
0xe8: {  	v3 =	vadd.s32 v5, v3;
	v5 =	vnsel vm14, $0x0, v54;
	v50 =	vld [tilespmem:$0xBB0];
	v1 =	vadd.s32 v23, v1  }
0xe9: {  	v3 =	vadd.s32 v6, v3;
	v55 =	vld [tilespmem:$0xBD0];
	v49 =	vsub.s32 $0x1, v41;
	v1 =	vadd.s32 v29, v1  }
0xea: {  	v51 =	vnsel vm13, $0x0, v49;
	vm13 =	vgt.f32 v0, v45;
	v1 =	vadd.s32 v32, v1  }
0xeb: {  	v53 =	vsub.s32 $0x1, v43;
	v63 =	vsub.s32 $0x1, v58;
	v1 =	vadd.s32 v34, v1  }
0xec: {  	v57 =	vld [tilespmem:$0xBE0];
	v3 =	vadd.s32 v51, v3;
	v4 =	vnsel vm15, $0x0, v53;
	v1 =	vadd.s32 v40, v1  }
0xed: {  	v56 =	vsub.s32 $0x1, v50;
	v3 =	vadd.s32 v4, v3;
	v1 =	vadd.s32 v41, v1  }
0xee: {  	v4 =	vnsel vm11, $0x0, v56;
	v60 =	vsub.s32 $0x1, v55;
	v1 =	vadd.s32 v43, v1  }
0xef: {  	v3 =	vadd.s32 v5, v3;
	v61 =	vnsel vm6, $0x0, v60;
	v1 =	vadd.s32 v48, v1  }
0xf0: {  	v3 =	vadd.s32 v4, v3;
	v4 =	vnsel vm10, $0x0, v59;
	v1 =	vadd.s32 v50, v1  }
0xf1: {  	v62 =	vsub.s32 $0x1, v57;
	v3 =	vadd.s32 v4, v3;
	v0 =	vadd.s32 v52, v1  }
0xf2: {  	v3 =	vadd.s32 v61, v3;
	v1 =	vnsel vm9, $0x0, v62;
	v0 =	vadd.s32 v55, v0  }
0xf3: {  	v2 =	vnsel vm13, $0x0, v63;
	v1 =	vadd.s32 v1, v3;
	v0 =	vadd.s32 v57, v0  }
0xf4: {  	v1 =	vadd.s32 v2, v1;
	v0 =	vadd.s32 v58, v0  }
0xf5: {  	v1 =	vcvt.s32.f32 v1;
	v0 =	vsub.s32 $0x40, v0  }
0xf6: {  	s29 =	sshll.u32 s1, $0x5;
	v0 =	vcvt.s32.f32 v0  }
0xf7: {  	s2 =	sadd.s32 s29, s2;
	[tilespmem:$0xC00] =	vst v1  }
0xf8: {  	s30 =	simm.s32 $0xC00;
	s31 =	simm.s32 $0x3;
	s2 =	sadd.s32 $0x1600, s2;
	[tilespmem:$0xC80] =	vst v0  }
0xf9: {  	[hbm4b:s2+s3] =	stream.linear.scatter [tilespmem:s30], [sflag:$0x3], $0x100, $0x38;
	[tilespmem:$0xD00] =	vst v63  }
0xfa: {  	_ =	swait.ge [sflag:s31], $0x100  }
0xfb: {  	[sflag:s31] =	ssyncset.done $0x0  }
0xfc: {  	[sflag:s31] =	ssyncadd.s32 $0xFFFFFF00  }
0xfd: {  	_ =	sfence.sel $0x180000  }
0xfe: {  	[bflag:$0x0] =	sbarrier.arrive $0xFFFF  }
0xff: {  	p0 =	sne.s32 s1, $0x0;
	_ =	strace $0x90000047  }
0x100: {  	s0 =	sadd.s32 @!p0 $0x100000, s0;
	[bflag:$0x2] =	sbarrier.arrive $0xFFFF  }
0x101: {  	[sflag:s0] =	ssyncadd.tile.s32 @!p0 $0x1;
	_ =	shalt  }
.Lfunc_end2:
_tile_overlayer_lowered:
.L_overlay_start_2:
0x102: {  	(tag) =	ssettag $0x2  }
0x103: {  	s0 =	rddreg [dreg:$0x0];
	s2 =	stileid.u32  }
0x104: {  	s1 =	rddreg [dreg:$0x1];
	p0 =	sne.s32 s2, $0x0  }
0x105: {  	s3 =	rddreg [dreg:$0x2];
	[bflag:$0x3] =	sbarrier.arrive $0xFFFF;
	s2 =	simm.s32 @!p0 $0x1C03  }
0x106: {  	[timem:s3], [sflag:s2] =	dma.local @!p0 [hbm:s0], s1  }
0x107: {  	s0 =	simm.s32 @!p0 $0x3  }
0x108: {  	_ =	swait.ge @!p0 [sflag:s0], s1  }
0x109: {  	s1 =	ssub.s32 @!p0 $0x0, s1;
	[sflag:s0] =	ssyncset.done @!p0 $0x0  }
0x10a: {  	[sflag:s0] =	ssyncadd.s32 @!p0 s1  }
0x10b: {  	[bflag:$0x3] =	sbarrier.arrive $0xFFFF  }
0x10c: {  	_ =	shalt  }

</sc_bundles>
